<compile_context>
chip_gen: v7x
topology: tpu7x:2x2x1
jax: 0.10.2.dev20260603
libtpu: 0.0.44.dev20260713+nightly
codegen_flags: <defaults>
</compile_context>

<pallas_src>
import functools

import jax
import jax.numpy as jnp
from jax import lax
from jax.experimental import pallas as pl
from jax.experimental.pallas import tpu as pltpu
from jax.experimental.pallas import tpu_sc as plsc

_N_LAYERS = 26
_VOCAB = 100000
_DIM = 32
_BATCH = 16384

_NUM_CORES = 2
_NUM_SUBCORES = 16
_NW = _NUM_CORES * _NUM_SUBCORES
_ROWS_PER_GATHER = 128
_TOTAL_ROWS = _BATCH * _N_LAYERS
_NBUF = 4
_NK = _N_LAYERS // 2


def _make_sc_gather():
    mesh = plsc.VectorSubcoreMesh(core_axis_name="c", subcore_axis_name="s")

    @functools.partial(
        pl.kernel,
        mesh=mesh,
        out_type=jax.ShapeDtypeStruct((_BATCH, _N_LAYERS * _DIM), jnp.float32),
        scratch_types=[
            pltpu.VMEM((_N_LAYERS, _NBUF, _ROWS_PER_GATHER), jnp.int32),
            pltpu.VMEM((2 * _NBUF, _ROWS_PER_GATHER, _DIM), jnp.float32),
            pltpu.SemaphoreType.DMA((2 * _NBUF,)),
            pltpu.SemaphoreType.DMA((2 * _NBUF,)),
        ],
        compiler_params=pltpu.CompilerParams(use_tc_tiling_on_sc=False),
    )
    def gather_kernel(idx_hbm, table_hbm, out_hbm, idx_v, rows_v, gsem, wsem):
        wid = lax.axis_index("s") * _NUM_CORES + lax.axis_index("c")
        b_blk0 = wid * _NBUF
        pltpu.sync_copy(idx_hbm.at[:, pl.ds(b_blk0, _NBUF)], idx_v)

        def gather_start(l, i, b):
            pltpu.async_copy(
                table_hbm.at[idx_v.at[l, i]], rows_v.at[b], gsem.at[b]
            )

        def gather_wait(b):
            pltpu.make_async_copy(
                table_hbm.at[pl.ds(0, _ROWS_PER_GATHER)], rows_v.at[b], gsem.at[b]
            ).wait()

        def write_start(l, i, b):
            pltpu.async_copy(
                rows_v.at[b],
                out_hbm.at[
                    pl.ds((b_blk0 + i) * _ROWS_PER_GATHER, _ROWS_PER_GATHER),
                    pl.ds(l * _DIM, _DIM),
                ],
                wsem.at[b],
            )

        def write_wait(b):
            pltpu.make_async_copy(
                rows_v.at[b],
                out_hbm.at[pl.ds(0, _ROWS_PER_GATHER), pl.ds(0, _DIM)],
                wsem.at[b],
            ).wait()

        for i in range(_NBUF):
            gather_start(0, i, i)

        def body(k, carry):
            @pl.when(k > 0)
            def _():
                for i in range(_NBUF):
                    write_wait(_NBUF + i)

            for i in range(_NBUF):
                gather_start(2 * k + 1, i, _NBUF + i)

            for i in range(_NBUF):
                gather_wait(i)
                write_start(2 * k, i, i)

            @pl.when(k < _NK - 1)
            def _():
                for i in range(_NBUF):
                    write_wait(i)
                    gather_start(2 * k + 2, i, i)

            for i in range(_NBUF):
                gather_wait(_NBUF + i)
                write_start(2 * k + 1, i, _NBUF + i)
            return carry

        lax.fori_loop(0, _NK, body, 0)

        for i in range(2 * _NBUF):
            write_wait(i)

    return gather_kernel


_sc_gather = _make_sc_gather()


def kernel(x, tables):
    offs = (jnp.arange(_N_LAYERS, dtype=jnp.int32) * _VOCAB)[None, :]
    flat_idx = (x + offs).T.reshape(
        _N_LAYERS, _BATCH // _ROWS_PER_GATHER, _ROWS_PER_GATHER
    )
    table2d = tables.reshape(_N_LAYERS * _VOCAB, _DIM)
    return _sc_gather(flat_idx, table2d)

# --- scband reference (transcript-rebuilt; emitter-appended) ---
"""Pipeline reference for scband-categorical-embedding-6116033429767 (READ-ONLY COPY).

The authoritative reference and input builder live on the scoring server;
editing this copy changes nothing except your own understanding.
"""

import jax, jax.numpy as jnp
import numpy as np

N_LAYERS = 26
VOCAB = 100000
DIM = 32
BATCH = 16384


def setup_inputs(seed: int = 0) -> dict:
    key = jax.random.key(seed)
    k1, k2 = jax.random.split(key)
    x = jax.random.randint(k1, (BATCH, N_LAYERS), 0, VOCAB, dtype=jnp.int32)
    # One embedding table per layer, stacked: [n_layers, vocab, dim]
    tables = jax.random.normal(k2, (N_LAYERS, VOCAB, DIM), dtype=jnp.float32)
    return {"x": x, "tables": tables}


def reference(x, tables):
    # Faithful translation: each layer embeds x[..., il:il+1] -> [..., 1, DIM],
    # concatenate along last dim -> [..., 1, n_layers*DIM], then squeeze(-2).
    outputs_list = []
    for il in range(N_LAYERS):
        idx = x[..., il:il + 1]                 # [B, 1]
        emb = jnp.take(tables[il], idx, axis=0)  # [B, 1, DIM]
        outputs_list.append(emb)
    out = jnp.concatenate(outputs_list, axis=-1)  # [B, 1, n_layers*DIM]
    return jnp.squeeze(out, axis=-2)              # [B, n_layers*DIM]

if __name__ == "__main__":
    import jax
    _d = setup_inputs()
    print(jax.jit(kernel)(*tuple(_d.values())))

</pallas_src>

<mosaic_0001>
#map = affine_map<(d0, d1) -> (0, 0, 0)>
#map1 = affine_map<(d0, d1) -> (0, 0)>
module attributes {stable_mosaic.version = 14 : i64} {
  func.func @gather_kernel(%arg0: i32, %arg1: i32, %arg2: memref<26x128x128xi32, #tpu.memory_space<hbm>>, %arg3: memref<2600000x32xf32, #tpu.memory_space<hbm>>, %arg4: memref<16384x832xf32, #tpu.memory_space<hbm>>, %arg5: memref<26x4x128xi32, #tpu.memory_space<vmem>>, %arg6: memref<8x128x32xf32, #tpu.memory_space<vmem>>, %arg7: memref<8x!tpu.dma_semaphore, #tpu.memory_space<semaphore_mem>>, %arg8: memref<8x!tpu.dma_semaphore, #tpu.memory_space<semaphore_mem>>) attributes {dimension_semantics = [#tpu.dimension_semantics<core_parallel>, #tpu.dimension_semantics<subcore_parallel>], iteration_bounds = array<i64: 2, 16>, scalar_prefetch = 0 : i64, scratch_operands = 4 : i64, tpu.core_type = #tpu.core_type<sc_vector_subcore>, window_params = [{transform_indices = #map}, {transform_indices = #map1}, {transform_indices = #map1}]} {
    %mul3A = arith.constant 2 : i32
    %mul3A_0 = arith.muli %arg1, %mul3A : i32
    %add3A = arith.addi %mul3A_0, %arg0 : i32
    %mul3A_1 = arith.constant 4 : i32
    %mul3A_2 = arith.muli %add3A, %mul3A_1 : i32
    "tpu.region"() ({
      %run_scoped3A = tpu.sem_alloc : memref<!tpu.dma_semaphore, #tpu.memory_space<semaphore_mem>>
      %dma_start3A_214 = arith.constant 0 : i32
      %dma_start3A_215 = arith.constant 0 : i32
      %dma_start3A_216 = tpu.memref_slice %arg2[%dma_start3A_214, %mul3A_2, %dma_start3A_215] : memref<26x128x128xi32, #tpu.memory_space<hbm>> -> memref<26x4x128xi32, #tpu.memory_space<hbm>>
      %dma_start3A_217 = arith.constant 0 : i32
      %dma_start3A_218 = arith.constant 0 : i32
      %dma_start3A_219 = tpu.memref_slice %arg2[%dma_start3A_217, %mul3A_2, %dma_start3A_218] : memref<26x128x128xi32, #tpu.memory_space<hbm>> -> memref<26x4x128xi32, #tpu.memory_space<hbm>>
      tpu.enqueue_dma source(%dma_start3A_219 : memref<26x4x128xi32, #tpu.memory_space<hbm>>) target(%arg5 : memref<26x4x128xi32, #tpu.memory_space<vmem>>) target_semaphore(%run_scoped3A : memref<!tpu.dma_semaphore, #tpu.memory_space<semaphore_mem>>)
      %dma_wait3A_220 = arith.constant 0 : i32
      %dma_wait3A_221 = arith.constant 0 : i32
      %dma_wait3A_222 = tpu.memref_slice %arg2[%dma_wait3A_220, %mul3A_2, %dma_wait3A_221] : memref<26x128x128xi32, #tpu.memory_space<hbm>> -> memref<26x4x128xi32, #tpu.memory_space<hbm>>
      %dma_wait3A_223 = arith.constant 0 : i32
      %dma_wait3A_224 = arith.constant 0 : i32
      %dma_wait3A_225 = tpu.memref_slice %arg2[%dma_wait3A_223, %mul3A_2, %dma_wait3A_224] : memref<26x128x128xi32, #tpu.memory_space<hbm>> -> memref<26x4x128xi32, #tpu.memory_space<hbm>>
      tpu.wait_dma2 semaphore(%run_scoped3A : memref<!tpu.dma_semaphore, #tpu.memory_space<semaphore_mem>>) src(%dma_wait3A_225 : memref<26x4x128xi32, #tpu.memory_space<hbm>>) dst(%arg5 : memref<26x4x128xi32, #tpu.memory_space<vmem>>)
      tpu.yield
    }) : () -> ()
    %dma_start3A = arith.constant 0 : i32
    %dma_start3A_3 = arith.constant 0 : i32
    %dma_start3A_4 = arith.constant 0 : i32
    %dma_start3A_5 = arith.constant 0 : i32
    %dma_start3A_6 = arith.constant 0 : i32
    %dma_start3A_7 = arith.constant 0 : i32
    %dma_start3A_8 = tpu.memref_slice %arg6[%dma_start3A_4, %dma_start3A_6, %dma_start3A_7] : memref<8x128x32xf32, #tpu.memory_space<vmem>> -> memref<1x128x32xf32, #tpu.memory_space<vmem>>
    %dma_start3A_9 = tpu.memref_squeeze %dma_start3A_8 : memref<1x128x32xf32, #tpu.memory_space<vmem>> -> memref<128x32xf32, #tpu.memory_space<vmem>>
    %dma_start3A_10 = arith.constant 0 : i32
    %dma_start3A_11 = tpu.memref_slice %arg5[%dma_start3A, %dma_start3A_3, %dma_start3A_10] : memref<26x4x128xi32, #tpu.memory_space<vmem>> -> memref<1x1x128xi32, #tpu.memory_space<vmem>>
    %dma_start3A_12 = tpu.memref_squeeze %dma_start3A_11 : memref<1x1x128xi32, #tpu.memory_space<vmem>> -> memref<128xi32, #tpu.memory_space<vmem>>
    %dma_start3A_13 = arith.constant 0 : i32
    %dma_start3A_14 = arith.constant 0 : i32
    %dma_start3A_15 = tpu.memref_slice %arg3[%dma_start3A_13, %dma_start3A_14] : memref<2600000x32xf32, #tpu.memory_space<hbm>> -> memref<2600000x32xf32, #tpu.memory_space<hbm>>
    %dma_start3A_16 = tpu.memref_slice %arg7[%dma_start3A_5] : memref<8x!tpu.dma_semaphore, #tpu.memory_space<semaphore_mem>> -> memref<1x!tpu.dma_semaphore, #tpu.memory_space<semaphore_mem>>
    %dma_start3A_17 = tpu.memref_squeeze %dma_start3A_16 : memref<1x!tpu.dma_semaphore, #tpu.memory_space<semaphore_mem>> -> memref<!tpu.dma_semaphore, #tpu.memory_space<semaphore_mem>>
    tpu.enqueue_indirect_dma source(%dma_start3A_15 : memref<2600000x32xf32, #tpu.memory_space<hbm>>) target(%dma_start3A_9 : memref<128x32xf32, #tpu.memory_space<vmem>>) offsets(%dma_start3A_12 : memref<128xi32, #tpu.memory_space<vmem>>) semaphore(%dma_start3A_17 : memref<!tpu.dma_semaphore, #tpu.memory_space<semaphore_mem>>)
    %dma_start3A_18 = arith.constant 0 : i32
    %dma_start3A_19 = arith.constant 1 : i32
    %dma_start3A_20 = arith.constant 1 : i32
    %dma_start3A_21 = arith.constant 1 : i32
    %dma_start3A_22 = arith.constant 0 : i32
    %dma_start3A_23 = arith.constant 0 : i32
    %dma_start3A_24 = tpu.memref_slice %arg6[%dma_start3A_20, %dma_start3A_22, %dma_start3A_23] : memref<8x128x32xf32, #tpu.memory_space<vmem>> -> memref<1x128x32xf32, #tpu.memory_space<vmem>>
    %dma_start3A_25 = tpu.memref_squeeze %dma_start3A_24 : memref<1x128x32xf32, #tpu.memory_space<vmem>> -> memref<128x32xf32, #tpu.memory_space<vmem>>
    %dma_start3A_26 = arith.constant 0 : i32
    %dma_start3A_27 = tpu.memref_slice %arg5[%dma_start3A_18, %dma_start3A_19, %dma_start3A_26] : memref<26x4x128xi32, #tpu.memory_space<vmem>> -> memref<1x1x128xi32, #tpu.memory_space<vmem>>
    %dma_start3A_28 = tpu.memref_squeeze %dma_start3A_27 : memref<1x1x128xi32, #tpu.memory_space<vmem>> -> memref<128xi32, #tpu.memory_space<vmem>>
    %dma_start3A_29 = arith.constant 0 : i32
    %dma_start3A_30 = arith.constant 0 : i32
    %dma_start3A_31 = tpu.memref_slice %arg3[%dma_start3A_29, %dma_start3A_30] : memref<2600000x32xf32, #tpu.memory_space<hbm>> -> memref<2600000x32xf32, #tpu.memory_space<hbm>>
    %dma_start3A_32 = tpu.memref_slice %arg7[%dma_start3A_21] : memref<8x!tpu.dma_semaphore, #tpu.memory_space<semaphore_mem>> -> memref<1x!tpu.dma_semaphore, #tpu.memory_space<semaphore_mem>>
    %dma_start3A_33 = tpu.memref_squeeze %dma_start3A_32 : memref<1x!tpu.dma_semaphore, #tpu.memory_space<semaphore_mem>> -> memref<!tpu.dma_semaphore, #tpu.memory_space<semaphore_mem>>
    tpu.enqueue_indirect_dma source(%dma_start3A_31 : memref<2600000x32xf32, #tpu.memory_space<hbm>>) target(%dma_start3A_25 : memref<128x32xf32, #tpu.memory_space<vmem>>) offsets(%dma_start3A_28 : memref<128xi32, #tpu.memory_space<vmem>>) semaphore(%dma_start3A_33 : memref<!tpu.dma_semaphore, #tpu.memory_space<semaphore_mem>>)
    %dma_start3A_34 = arith.constant 0 : i32
    %dma_start3A_35 = arith.constant 2 : i32
    %dma_start3A_36 = arith.constant 2 : i32
    %dma_start3A_37 = arith.constant 2 : i32
    %dma_start3A_38 = arith.constant 0 : i32
    %dma_start3A_39 = arith.constant 0 : i32
    %dma_start3A_40 = tpu.memref_slice %arg6[%dma_start3A_36, %dma_start3A_38, %dma_start3A_39] : memref<8x128x32xf32, #tpu.memory_space<vmem>> -> memref<1x128x32xf32, #tpu.memory_space<vmem>>
    %dma_start3A_41 = tpu.memref_squeeze %dma_start3A_40 : memref<1x128x32xf32, #tpu.memory_space<vmem>> -> memref<128x32xf32, #tpu.memory_space<vmem>>
    %dma_start3A_42 = arith.constant 0 : i32
    %dma_start3A_43 = tpu.memref_slice %arg5[%dma_start3A_34, %dma_start3A_35, %dma_start3A_42] : memref<26x4x128xi32, #tpu.memory_space<vmem>> -> memref<1x1x128xi32, #tpu.memory_space<vmem>>
    %dma_start3A_44 = tpu.memref_squeeze %dma_start3A_43 : memref<1x1x128xi32, #tpu.memory_space<vmem>> -> memref<128xi32, #tpu.memory_space<vmem>>
    %dma_start3A_45 = arith.constant 0 : i32
    %dma_start3A_46 = arith.constant 0 : i32
    %dma_start3A_47 = tpu.memref_slice %arg3[%dma_start3A_45, %dma_start3A_46] : memref<2600000x32xf32, #tpu.memory_space<hbm>> -> memref<2600000x32xf32, #tpu.memory_space<hbm>>
    %dma_start3A_48 = tpu.memref_slice %arg7[%dma_start3A_37] : memref<8x!tpu.dma_semaphore, #tpu.memory_space<semaphore_mem>> -> memref<1x!tpu.dma_semaphore, #tpu.memory_space<semaphore_mem>>
    %dma_start3A_49 = tpu.memref_squeeze %dma_start3A_48 : memref<1x!tpu.dma_semaphore, #tpu.memory_space<semaphore_mem>> -> memref<!tpu.dma_semaphore, #tpu.memory_space<semaphore_mem>>
    tpu.enqueue_indirect_dma source(%dma_start3A_47 : memref<2600000x32xf32, #tpu.memory_space<hbm>>) target(%dma_start3A_41 : memref<128x32xf32, #tpu.memory_space<vmem>>) offsets(%dma_start3A_44 : memref<128xi32, #tpu.memory_space<vmem>>) semaphore(%dma_start3A_49 : memref<!tpu.dma_semaphore, #tpu.memory_space<semaphore_mem>>)
    %dma_start3A_50 = arith.constant 0 : i32
    %dma_start3A_51 = arith.constant 3 : i32
    %dma_start3A_52 = arith.constant 3 : i32
    %dma_start3A_53 = arith.constant 3 : i32
    %dma_start3A_54 = arith.constant 0 : i32
    %dma_start3A_55 = arith.constant 0 : i32
    %dma_start3A_56 = tpu.memref_slice %arg6[%dma_start3A_52, %dma_start3A_54, %dma_start3A_55] : memref<8x128x32xf32, #tpu.memory_space<vmem>> -> memref<1x128x32xf32, #tpu.memory_space<vmem>>
    %dma_start3A_57 = tpu.memref_squeeze %dma_start3A_56 : memref<1x128x32xf32, #tpu.memory_space<vmem>> -> memref<128x32xf32, #tpu.memory_space<vmem>>
    %dma_start3A_58 = arith.constant 0 : i32
    %dma_start3A_59 = tpu.memref_slice %arg5[%dma_start3A_50, %dma_start3A_51, %dma_start3A_58] : memref<26x4x128xi32, #tpu.memory_space<vmem>> -> memref<1x1x128xi32, #tpu.memory_space<vmem>>
    %dma_start3A_60 = tpu.memref_squeeze %dma_start3A_59 : memref<1x1x128xi32, #tpu.memory_space<vmem>> -> memref<128xi32, #tpu.memory_space<vmem>>
    %dma_start3A_61 = arith.constant 0 : i32
    %dma_start3A_62 = arith.constant 0 : i32
    %dma_start3A_63 = tpu.memref_slice %arg3[%dma_start3A_61, %dma_start3A_62] : memref<2600000x32xf32, #tpu.memory_space<hbm>> -> memref<2600000x32xf32, #tpu.memory_space<hbm>>
    %dma_start3A_64 = tpu.memref_slice %arg7[%dma_start3A_53] : memref<8x!tpu.dma_semaphore, #tpu.memory_space<semaphore_mem>> -> memref<1x!tpu.dma_semaphore, #tpu.memory_space<semaphore_mem>>
    %dma_start3A_65 = tpu.memref_squeeze %dma_start3A_64 : memref<1x!tpu.dma_semaphore, #tpu.memory_space<semaphore_mem>> -> memref<!tpu.dma_semaphore, #tpu.memory_space<semaphore_mem>>
    tpu.enqueue_indirect_dma source(%dma_start3A_63 : memref<2600000x32xf32, #tpu.memory_space<hbm>>) target(%dma_start3A_57 : memref<128x32xf32, #tpu.memory_space<vmem>>) offsets(%dma_start3A_60 : memref<128xi32, #tpu.memory_space<vmem>>) semaphore(%dma_start3A_65 : memref<!tpu.dma_semaphore, #tpu.memory_space<semaphore_mem>>)
    %scan3A = arith.constant 0 : i32
    %scan3A_66 = arith.constant 0 : i32
    %scan3A_67 = arith.constant 13 : i32
    %scan3A_68 = arith.addi %scan3A_66, %scan3A_67 : i32
    %scan3A_69 = arith.constant 1 : i32
    scf.for %scan3A_214 = %scan3A_66 to %scan3A_68 step %scan3A_69  : i32 {
      %gt3A = arith.constant 0 : i32
      %gt3A_215 = arith.cmpi sgt, %scan3A_214, %gt3A : i32
      %convert_element_type3A = arith.extui %gt3A_215 : i1 to i32
      %cond3A = arith.constant 0 : i32
      %cond3A_216 = arith.cmpi ne, %convert_element_type3A, %cond3A : i32
      scf.if %cond3A_216 {
        %dma_wait3A_625 = arith.constant 4 : i32
        %dma_wait3A_626 = arith.constant 4 : i32
        %dma_wait3A_627 = arith.constant 0 : i32
        %dma_wait3A_628 = arith.constant 0 : i32
        %dma_wait3A_629 = tpu.memref_slice %arg6[%dma_wait3A_625, %dma_wait3A_627, %dma_wait3A_628] : memref<8x128x32xf32, #tpu.memory_space<vmem>> -> memref<1x128x32xf32, #tpu.memory_space<vmem>>
        %dma_wait3A_630 = tpu.memref_squeeze %dma_wait3A_629 : memref<1x128x32xf32, #tpu.memory_space<vmem>> -> memref<128x32xf32, #tpu.memory_space<vmem>>
        %dma_wait3A_631 = arith.constant 0 : i32
        %dma_wait3A_632 = arith.constant 0 : i32
        %dma_wait3A_633 = tpu.memref_slice %arg4[%dma_wait3A_631, %dma_wait3A_632] : memref<16384x832xf32, #tpu.memory_space<hbm>> -> memref<128x32xf32, #tpu.memory_space<hbm>>
        %dma_wait3A_634 = tpu.memref_slice %arg8[%dma_wait3A_626] : memref<8x!tpu.dma_semaphore, #tpu.memory_space<semaphore_mem>> -> memref<1x!tpu.dma_semaphore, #tpu.memory_space<semaphore_mem>>
        %dma_wait3A_635 = tpu.memref_squeeze %dma_wait3A_634 : memref<1x!tpu.dma_semaphore, #tpu.memory_space<semaphore_mem>> -> memref<!tpu.dma_semaphore, #tpu.memory_space<semaphore_mem>>
        %dma_wait3A_636 = arith.constant 0 : i32
        %dma_wait3A_637 = arith.constant 0 : i32
        %dma_wait3A_638 = tpu.memref_slice %arg4[%dma_wait3A_636, %dma_wait3A_637] : memref<16384x832xf32, #tpu.memory_space<hbm>> -> memref<128x32xf32, #tpu.memory_space<hbm>>
        %dma_wait3A_639 = arith.constant 0 : i32
        %dma_wait3A_640 = arith.constant 0 : i32
        %dma_wait3A_641 = tpu.memref_slice %arg6[%dma_wait3A_625, %dma_wait3A_639, %dma_wait3A_640] : memref<8x128x32xf32, #tpu.memory_space<vmem>> -> memref<1x128x32xf32, #tpu.memory_space<vmem>>
        %dma_wait3A_642 = tpu.memref_squeeze %dma_wait3A_641 : memref<1x128x32xf32, #tpu.memory_space<vmem>> -> memref<128x32xf32, #tpu.memory_space<vmem>>
        tpu.wait_dma2 semaphore(%dma_wait3A_635 : memref<!tpu.dma_semaphore, #tpu.memory_space<semaphore_mem>>) src(%dma_wait3A_642 : memref<128x32xf32, #tpu.memory_space<vmem>>) dst(%dma_wait3A_638 : memref<128x32xf32, #tpu.memory_space<hbm>>)
        %dma_wait3A_643 = arith.constant 5 : i32
        %dma_wait3A_644 = arith.constant 5 : i32
        %dma_wait3A_645 = arith.constant 0 : i32
        %dma_wait3A_646 = arith.constant 0 : i32
        %dma_wait3A_647 = tpu.memref_slice %arg6[%dma_wait3A_643, %dma_wait3A_645, %dma_wait3A_646] : memref<8x128x32xf32, #tpu.memory_space<vmem>> -> memref<1x128x32xf32, #tpu.memory_space<vmem>>
        %dma_wait3A_648 = tpu.memref_squeeze %dma_wait3A_647 : memref<1x128x32xf32, #tpu.memory_space<vmem>> -> memref<128x32xf32, #tpu.memory_space<vmem>>
        %dma_wait3A_649 = arith.constant 0 : i32
        %dma_wait3A_650 = arith.constant 0 : i32
        %dma_wait3A_651 = tpu.memref_slice %arg4[%dma_wait3A_649, %dma_wait3A_650] : memref<16384x832xf32, #tpu.memory_space<hbm>> -> memref<128x32xf32, #tpu.memory_space<hbm>>
        %dma_wait3A_652 = tpu.memref_slice %arg8[%dma_wait3A_644] : memref<8x!tpu.dma_semaphore, #tpu.memory_space<semaphore_mem>> -> memref<1x!tpu.dma_semaphore, #tpu.memory_space<semaphore_mem>>
        %dma_wait3A_653 = tpu.memref_squeeze %dma_wait3A_652 : memref<1x!tpu.dma_semaphore, #tpu.memory_space<semaphore_mem>> -> memref<!tpu.dma_semaphore, #tpu.memory_space<semaphore_mem>>
        %dma_wait3A_654 = arith.constant 0 : i32
        %dma_wait3A_655 = arith.constant 0 : i32
        %dma_wait3A_656 = tpu.memref_slice %arg4[%dma_wait3A_654, %dma_wait3A_655] : memref<16384x832xf32, #tpu.memory_space<hbm>> -> memref<128x32xf32, #tpu.memory_space<hbm>>
        %dma_wait3A_657 = arith.constant 0 : i32
        %dma_wait3A_658 = arith.constant 0 : i32
        %dma_wait3A_659 = tpu.memref_slice %arg6[%dma_wait3A_643, %dma_wait3A_657, %dma_wait3A_658] : memref<8x128x32xf32, #tpu.memory_space<vmem>> -> memref<1x128x32xf32, #tpu.memory_space<vmem>>
        %dma_wait3A_660 = tpu.memref_squeeze %dma_wait3A_659 : memref<1x128x32xf32, #tpu.memory_space<vmem>> -> memref<128x32xf32, #tpu.memory_space<vmem>>
        tpu.wait_dma2 semaphore(%dma_wait3A_653 : memref<!tpu.dma_semaphore, #tpu.memory_space<semaphore_mem>>) src(%dma_wait3A_660 : memref<128x32xf32, #tpu.memory_space<vmem>>) dst(%dma_wait3A_656 : memref<128x32xf32, #tpu.memory_space<hbm>>)
        %dma_wait3A_661 = arith.constant 6 : i32
        %dma_wait3A_662 = arith.constant 6 : i32
        %dma_wait3A_663 = arith.constant 0 : i32
        %dma_wait3A_664 = arith.constant 0 : i32
        %dma_wait3A_665 = tpu.memref_slice %arg6[%dma_wait3A_661, %dma_wait3A_663, %dma_wait3A_664] : memref<8x128x32xf32, #tpu.memory_space<vmem>> -> memref<1x128x32xf32, #tpu.memory_space<vmem>>
        %dma_wait3A_666 = tpu.memref_squeeze %dma_wait3A_665 : memref<1x128x32xf32, #tpu.memory_space<vmem>> -> memref<128x32xf32, #tpu.memory_space<vmem>>
        %dma_wait3A_667 = arith.constant 0 : i32
        %dma_wait3A_668 = arith.constant 0 : i32
        %dma_wait3A_669 = tpu.memref_slice %arg4[%dma_wait3A_667, %dma_wait3A_668] : memref<16384x832xf32, #tpu.memory_space<hbm>> -> memref<128x32xf32, #tpu.memory_space<hbm>>
        %dma_wait3A_670 = tpu.memref_slice %arg8[%dma_wait3A_662] : memref<8x!tpu.dma_semaphore, #tpu.memory_space<semaphore_mem>> -> memref<1x!tpu.dma_semaphore, #tpu.memory_space<semaphore_mem>>
        %dma_wait3A_671 = tpu.memref_squeeze %dma_wait3A_670 : memref<1x!tpu.dma_semaphore, #tpu.memory_space<semaphore_mem>> -> memref<!tpu.dma_semaphore, #tpu.memory_space<semaphore_mem>>
        %dma_wait3A_672 = arith.constant 0 : i32
        %dma_wait3A_673 = arith.constant 0 : i32
        %dma_wait3A_674 = tpu.memref_slice %arg4[%dma_wait3A_672, %dma_wait3A_673] : memref<16384x832xf32, #tpu.memory_space<hbm>> -> memref<128x32xf32, #tpu.memory_space<hbm>>
        %dma_wait3A_675 = arith.constant 0 : i32
        %dma_wait3A_676 = arith.constant 0 : i32
        %dma_wait3A_677 = tpu.memref_slice %arg6[%dma_wait3A_661, %dma_wait3A_675, %dma_wait3A_676] : memref<8x128x32xf32, #tpu.memory_space<vmem>> -> memref<1x128x32xf32, #tpu.memory_space<vmem>>
        %dma_wait3A_678 = tpu.memref_squeeze %dma_wait3A_677 : memref<1x128x32xf32, #tpu.memory_space<vmem>> -> memref<128x32xf32, #tpu.memory_space<vmem>>
        tpu.wait_dma2 semaphore(%dma_wait3A_671 : memref<!tpu.dma_semaphore, #tpu.memory_space<semaphore_mem>>) src(%dma_wait3A_678 : memref<128x32xf32, #tpu.memory_space<vmem>>) dst(%dma_wait3A_674 : memref<128x32xf32, #tpu.memory_space<hbm>>)
        %dma_wait3A_679 = arith.constant 7 : i32
        %dma_wait3A_680 = arith.constant 7 : i32
        %dma_wait3A_681 = arith.constant 0 : i32
        %dma_wait3A_682 = arith.constant 0 : i32
        %dma_wait3A_683 = tpu.memref_slice %arg6[%dma_wait3A_679, %dma_wait3A_681, %dma_wait3A_682] : memref<8x128x32xf32, #tpu.memory_space<vmem>> -> memref<1x128x32xf32, #tpu.memory_space<vmem>>
        %dma_wait3A_684 = tpu.memref_squeeze %dma_wait3A_683 : memref<1x128x32xf32, #tpu.memory_space<vmem>> -> memref<128x32xf32, #tpu.memory_space<vmem>>
        %dma_wait3A_685 = arith.constant 0 : i32
        %dma_wait3A_686 = arith.constant 0 : i32
        %dma_wait3A_687 = tpu.memref_slice %arg4[%dma_wait3A_685, %dma_wait3A_686] : memref<16384x832xf32, #tpu.memory_space<hbm>> -> memref<128x32xf32, #tpu.memory_space<hbm>>
        %dma_wait3A_688 = tpu.memref_slice %arg8[%dma_wait3A_680] : memref<8x!tpu.dma_semaphore, #tpu.memory_space<semaphore_mem>> -> memref<1x!tpu.dma_semaphore, #tpu.memory_space<semaphore_mem>>
        %dma_wait3A_689 = tpu.memref_squeeze %dma_wait3A_688 : memref<1x!tpu.dma_semaphore, #tpu.memory_space<semaphore_mem>> -> memref<!tpu.dma_semaphore, #tpu.memory_space<semaphore_mem>>
        %dma_wait3A_690 = arith.constant 0 : i32
        %dma_wait3A_691 = arith.constant 0 : i32
        %dma_wait3A_692 = tpu.memref_slice %arg4[%dma_wait3A_690, %dma_wait3A_691] : memref<16384x832xf32, #tpu.memory_space<hbm>> -> memref<128x32xf32, #tpu.memory_space<hbm>>
        %dma_wait3A_693 = arith.constant 0 : i32
        %dma_wait3A_694 = arith.constant 0 : i32
        %dma_wait3A_695 = tpu.memref_slice %arg6[%dma_wait3A_679, %dma_wait3A_693, %dma_wait3A_694] : memref<8x128x32xf32, #tpu.memory_space<vmem>> -> memref<1x128x32xf32, #tpu.memory_space<vmem>>
        %dma_wait3A_696 = tpu.memref_squeeze %dma_wait3A_695 : memref<1x128x32xf32, #tpu.memory_space<vmem>> -> memref<128x32xf32, #tpu.memory_space<vmem>>
        tpu.wait_dma2 semaphore(%dma_wait3A_689 : memref<!tpu.dma_semaphore, #tpu.memory_space<semaphore_mem>>) src(%dma_wait3A_696 : memref<128x32xf32, #tpu.memory_space<vmem>>) dst(%dma_wait3A_692 : memref<128x32xf32, #tpu.memory_space<hbm>>)
      } else {
      }
      %mul3A_217 = arith.constant 2 : i32
      %mul3A_218 = arith.muli %mul3A_217, %scan3A_214 : i32
      %add3A_219 = arith.constant 1 : i32
      %add3A_220 = arith.addi %mul3A_218, %add3A_219 : i32
      %dma_start3A_221 = arith.constant 0 : i32
      %dma_start3A_222 = arith.constant 4 : i32
      %dma_start3A_223 = arith.constant 4 : i32
      %dma_start3A_224 = arith.constant 0 : i32
      %dma_start3A_225 = arith.constant 0 : i32
      %dma_start3A_226 = tpu.memref_slice %arg6[%dma_start3A_222, %dma_start3A_224, %dma_start3A_225] : memref<8x128x32xf32, #tpu.memory_space<vmem>> -> memref<1x128x32xf32, #tpu.memory_space<vmem>>
      %dma_start3A_227 = tpu.memref_squeeze %dma_start3A_226 : memref<1x128x32xf32, #tpu.memory_space<vmem>> -> memref<128x32xf32, #tpu.memory_space<vmem>>
      %dma_start3A_228 = arith.constant 0 : i32
      %dma_start3A_229 = tpu.memref_slice %arg5[%add3A_220, %dma_start3A_221, %dma_start3A_228] : memref<26x4x128xi32, #tpu.memory_space<vmem>> -> memref<1x1x128xi32, #tpu.memory_space<vmem>>
      %dma_start3A_230 = tpu.memref_squeeze %dma_start3A_229 : memref<1x1x128xi32, #tpu.memory_space<vmem>> -> memref<128xi32, #tpu.memory_space<vmem>>
      %dma_start3A_231 = arith.constant 0 : i32
      %dma_start3A_232 = arith.constant 0 : i32
      %dma_start3A_233 = tpu.memref_slice %arg3[%dma_start3A_231, %dma_start3A_232] : memref<2600000x32xf32, #tpu.memory_space<hbm>> -> memref<2600000x32xf32, #tpu.memory_space<hbm>>
      %dma_start3A_234 = tpu.memref_slice %arg7[%dma_start3A_223] : memref<8x!tpu.dma_semaphore, #tpu.memory_space<semaphore_mem>> -> memref<1x!tpu.dma_semaphore, #tpu.memory_space<semaphore_mem>>
      %dma_start3A_235 = tpu.memref_squeeze %dma_start3A_234 : memref<1x!tpu.dma_semaphore, #tpu.memory_space<semaphore_mem>> -> memref<!tpu.dma_semaphore, #tpu.memory_space<semaphore_mem>>
      tpu.enqueue_indirect_dma source(%dma_start3A_233 : memref<2600000x32xf32, #tpu.memory_space<hbm>>) target(%dma_start3A_227 : memref<128x32xf32, #tpu.memory_space<vmem>>) offsets(%dma_start3A_230 : memref<128xi32, #tpu.memory_space<vmem>>) semaphore(%dma_start3A_235 : memref<!tpu.dma_semaphore, #tpu.memory_space<semaphore_mem>>)
      %mul3A_236 = arith.constant 2 : i32
      %mul3A_237 = arith.muli %mul3A_236, %scan3A_214 : i32
      %add3A_238 = arith.constant 1 : i32
      %add3A_239 = arith.addi %mul3A_237, %add3A_238 : i32
      %dma_start3A_240 = arith.constant 1 : i32
      %dma_start3A_241 = arith.constant 5 : i32
      %dma_start3A_242 = arith.constant 5 : i32
      %dma_start3A_243 = arith.constant 0 : i32
      %dma_start3A_244 = arith.constant 0 : i32
      %dma_start3A_245 = tpu.memref_slice %arg6[%dma_start3A_241, %dma_start3A_243, %dma_start3A_244] : memref<8x128x32xf32, #tpu.memory_space<vmem>> -> memref<1x128x32xf32, #tpu.memory_space<vmem>>
      %dma_start3A_246 = tpu.memref_squeeze %dma_start3A_245 : memref<1x128x32xf32, #tpu.memory_space<vmem>> -> memref<128x32xf32, #tpu.memory_space<vmem>>
      %dma_start3A_247 = arith.constant 0 : i32
      %dma_start3A_248 = tpu.memref_slice %arg5[%add3A_239, %dma_start3A_240, %dma_start3A_247] : memref<26x4x128xi32, #tpu.memory_space<vmem>> -> memref<1x1x128xi32, #tpu.memory_space<vmem>>
      %dma_start3A_249 = tpu.memref_squeeze %dma_start3A_248 : memref<1x1x128xi32, #tpu.memory_space<vmem>> -> memref<128xi32, #tpu.memory_space<vmem>>
      %dma_start3A_250 = arith.constant 0 : i32
      %dma_start3A_251 = arith.constant 0 : i32
      %dma_start3A_252 = tpu.memref_slice %arg3[%dma_start3A_250, %dma_start3A_251] : memref<2600000x32xf32, #tpu.memory_space<hbm>> -> memref<2600000x32xf32, #tpu.memory_space<hbm>>
      %dma_start3A_253 = tpu.memref_slice %arg7[%dma_start3A_242] : memref<8x!tpu.dma_semaphore, #tpu.memory_space<semaphore_mem>> -> memref<1x!tpu.dma_semaphore, #tpu.memory_space<semaphore_mem>>
      %dma_start3A_254 = tpu.memref_squeeze %dma_start3A_253 : memref<1x!tpu.dma_semaphore, #tpu.memory_space<semaphore_mem>> -> memref<!tpu.dma_semaphore, #tpu.memory_space<semaphore_mem>>
      tpu.enqueue_indirect_dma source(%dma_start3A_252 : memref<2600000x32xf32, #tpu.memory_space<hbm>>) target(%dma_start3A_246 : memref<128x32xf32, #tpu.memory_space<vmem>>) offsets(%dma_start3A_249 : memref<128xi32, #tpu.memory_space<vmem>>) semaphore(%dma_start3A_254 : memref<!tpu.dma_semaphore, #tpu.memory_space<semaphore_mem>>)
      %mul3A_255 = arith.constant 2 : i32
      %mul3A_256 = arith.muli %mul3A_255, %scan3A_214 : i32
      %add3A_257 = arith.constant 1 : i32
      %add3A_258 = arith.addi %mul3A_256, %add3A_257 : i32
      %dma_start3A_259 = arith.constant 2 : i32
      %dma_start3A_260 = arith.constant 6 : i32
      %dma_start3A_261 = arith.constant 6 : i32
      %dma_start3A_262 = arith.constant 0 : i32
      %dma_start3A_263 = arith.constant 0 : i32
      %dma_start3A_264 = tpu.memref_slice %arg6[%dma_start3A_260, %dma_start3A_262, %dma_start3A_263] : memref<8x128x32xf32, #tpu.memory_space<vmem>> -> memref<1x128x32xf32, #tpu.memory_space<vmem>>
      %dma_start3A_265 = tpu.memref_squeeze %dma_start3A_264 : memref<1x128x32xf32, #tpu.memory_space<vmem>> -> memref<128x32xf32, #tpu.memory_space<vmem>>
      %dma_start3A_266 = arith.constant 0 : i32
      %dma_start3A_267 = tpu.memref_slice %arg5[%add3A_258, %dma_start3A_259, %dma_start3A_266] : memref<26x4x128xi32, #tpu.memory_space<vmem>> -> memref<1x1x128xi32, #tpu.memory_space<vmem>>
      %dma_start3A_268 = tpu.memref_squeeze %dma_start3A_267 : memref<1x1x128xi32, #tpu.memory_space<vmem>> -> memref<128xi32, #tpu.memory_space<vmem>>
      %dma_start3A_269 = arith.constant 0 : i32
      %dma_start3A_270 = arith.constant 0 : i32
      %dma_start3A_271 = tpu.memref_slice %arg3[%dma_start3A_269, %dma_start3A_270] : memref<2600000x32xf32, #tpu.memory_space<hbm>> -> memref<2600000x32xf32, #tpu.memory_space<hbm>>
      %dma_start3A_272 = tpu.memref_slice %arg7[%dma_start3A_261] : memref<8x!tpu.dma_semaphore, #tpu.memory_space<semaphore_mem>> -> memref<1x!tpu.dma_semaphore, #tpu.memory_space<semaphore_mem>>
      %dma_start3A_273 = tpu.memref_squeeze %dma_start3A_272 : memref<1x!tpu.dma_semaphore, #tpu.memory_space<semaphore_mem>> -> memref<!tpu.dma_semaphore, #tpu.memory_space<semaphore_mem>>
      tpu.enqueue_indirect_dma source(%dma_start3A_271 : memref<2600000x32xf32, #tpu.memory_space<hbm>>) target(%dma_start3A_265 : memref<128x32xf32, #tpu.memory_space<vmem>>) offsets(%dma_start3A_268 : memref<128xi32, #tpu.memory_space<vmem>>) semaphore(%dma_start3A_273 : memref<!tpu.dma_semaphore, #tpu.memory_space<semaphore_mem>>)
      %mul3A_274 = arith.constant 2 : i32
      %mul3A_275 = arith.muli %mul3A_274, %scan3A_214 : i32
      %add3A_276 = arith.constant 1 : i32
      %add3A_277 = arith.addi %mul3A_275, %add3A_276 : i32
      %dma_start3A_278 = arith.constant 3 : i32
      %dma_start3A_279 = arith.constant 7 : i32
      %dma_start3A_280 = arith.constant 7 : i32
      %dma_start3A_281 = arith.constant 0 : i32
      %dma_start3A_282 = arith.constant 0 : i32
      %dma_start3A_283 = tpu.memref_slice %arg6[%dma_start3A_279, %dma_start3A_281, %dma_start3A_282] : memref<8x128x32xf32, #tpu.memory_space<vmem>> -> memref<1x128x32xf32, #tpu.memory_space<vmem>>
      %dma_start3A_284 = tpu.memref_squeeze %dma_start3A_283 : memref<1x128x32xf32, #tpu.memory_space<vmem>> -> memref<128x32xf32, #tpu.memory_space<vmem>>
      %dma_start3A_285 = arith.constant 0 : i32
      %dma_start3A_286 = tpu.memref_slice %arg5[%add3A_277, %dma_start3A_278, %dma_start3A_285] : memref<26x4x128xi32, #tpu.memory_space<vmem>> -> memref<1x1x128xi32, #tpu.memory_space<vmem>>
      %dma_start3A_287 = tpu.memref_squeeze %dma_start3A_286 : memref<1x1x128xi32, #tpu.memory_space<vmem>> -> memref<128xi32, #tpu.memory_space<vmem>>
      %dma_start3A_288 = arith.constant 0 : i32
      %dma_start3A_289 = arith.constant 0 : i32
      %dma_start3A_290 = tpu.memref_slice %arg3[%dma_start3A_288, %dma_start3A_289] : memref<2600000x32xf32, #tpu.memory_space<hbm>> -> memref<2600000x32xf32, #tpu.memory_space<hbm>>
      %dma_start3A_291 = tpu.memref_slice %arg7[%dma_start3A_280] : memref<8x!tpu.dma_semaphore, #tpu.memory_space<semaphore_mem>> -> memref<1x!tpu.dma_semaphore, #tpu.memory_space<semaphore_mem>>
      %dma_start3A_292 = tpu.memref_squeeze %dma_start3A_291 : memref<1x!tpu.dma_semaphore, #tpu.memory_space<semaphore_mem>> -> memref<!tpu.dma_semaphore, #tpu.memory_space<semaphore_mem>>
      tpu.enqueue_indirect_dma source(%dma_start3A_290 : memref<2600000x32xf32, #tpu.memory_space<hbm>>) target(%dma_start3A_284 : memref<128x32xf32, #tpu.memory_space<vmem>>) offsets(%dma_start3A_287 : memref<128xi32, #tpu.memory_space<vmem>>) semaphore(%dma_start3A_292 : memref<!tpu.dma_semaphore, #tpu.memory_space<semaphore_mem>>)
      %dma_wait3A_293 = arith.constant 0 : i32
      %dma_wait3A_294 = arith.constant 0 : i32
      %dma_wait3A_295 = arith.constant 0 : i32
      %dma_wait3A_296 = arith.constant 0 : i32
      %dma_wait3A_297 = tpu.memref_slice %arg6[%dma_wait3A_293, %dma_wait3A_295, %dma_wait3A_296] : memref<8x128x32xf32, #tpu.memory_space<vmem>> -> memref<1x128x32xf32, #tpu.memory_space<vmem>>
      %dma_wait3A_298 = tpu.memref_squeeze %dma_wait3A_297 : memref<1x128x32xf32, #tpu.memory_space<vmem>> -> memref<128x32xf32, #tpu.memory_space<vmem>>
      %dma_wait3A_299 = arith.constant 0 : i32
      %dma_wait3A_300 = arith.constant 0 : i32
      %dma_wait3A_301 = tpu.memref_slice %arg3[%dma_wait3A_299, %dma_wait3A_300] : memref<2600000x32xf32, #tpu.memory_space<hbm>> -> memref<128x32xf32, #tpu.memory_space<hbm>>
      %dma_wait3A_302 = tpu.memref_slice %arg7[%dma_wait3A_294] : memref<8x!tpu.dma_semaphore, #tpu.memory_space<semaphore_mem>> -> memref<1x!tpu.dma_semaphore, #tpu.memory_space<semaphore_mem>>
      %dma_wait3A_303 = tpu.memref_squeeze %dma_wait3A_302 : memref<1x!tpu.dma_semaphore, #tpu.memory_space<semaphore_mem>> -> memref<!tpu.dma_semaphore, #tpu.memory_space<semaphore_mem>>
      %dma_wait3A_304 = arith.constant 0 : i32
      %dma_wait3A_305 = arith.constant 0 : i32
      %dma_wait3A_306 = tpu.memref_slice %arg6[%dma_wait3A_293, %dma_wait3A_304, %dma_wait3A_305] : memref<8x128x32xf32, #tpu.memory_space<vmem>> -> memref<1x128x32xf32, #tpu.memory_space<vmem>>
      %dma_wait3A_307 = tpu.memref_squeeze %dma_wait3A_306 : memref<1x128x32xf32, #tpu.memory_space<vmem>> -> memref<128x32xf32, #tpu.memory_space<vmem>>
      %dma_wait3A_308 = arith.constant 0 : i32
      %dma_wait3A_309 = arith.constant 0 : i32
      %dma_wait3A_310 = tpu.memref_slice %arg3[%dma_wait3A_308, %dma_wait3A_309] : memref<2600000x32xf32, #tpu.memory_space<hbm>> -> memref<128x32xf32, #tpu.memory_space<hbm>>
      tpu.wait_dma2 semaphore(%dma_wait3A_303 : memref<!tpu.dma_semaphore, #tpu.memory_space<semaphore_mem>>) src(%dma_wait3A_310 : memref<128x32xf32, #tpu.memory_space<hbm>>) dst(%dma_wait3A_307 : memref<128x32xf32, #tpu.memory_space<vmem>>)
      %mul3A_311 = arith.constant 2 : i32
      %mul3A_312 = arith.muli %mul3A_311, %scan3A_214 : i32
      %add3A_313 = arith.constant 0 : i32
      %add3A_314 = arith.addi %mul3A_2, %add3A_313 : i32
      %mul3A_315 = arith.constant 128 : i32
      %mul3A_316 = arith.muli %add3A_314, %mul3A_315 : i32
      %mul3A_317 = arith.constant 32 : i32
      %mul3A_318 = arith.muli %mul3A_312, %mul3A_317 : i32
      %dma_start3A_319 = arith.constant 0 : i32
      %dma_start3A_320 = arith.constant 0 : i32
      %dma_start3A_321 = arith.constant 0 : i32
      %dma_start3A_322 = arith.constant 0 : i32
      %dma_start3A_323 = tpu.memref_slice %arg6[%dma_start3A_319, %dma_start3A_321, %dma_start3A_322] : memref<8x128x32xf32, #tpu.memory_space<vmem>> -> memref<1x128x32xf32, #tpu.memory_space<vmem>>
      %dma_start3A_324 = tpu.memref_squeeze %dma_start3A_323 : memref<1x128x32xf32, #tpu.memory_space<vmem>> -> memref<128x32xf32, #tpu.memory_space<vmem>>
      %dma_start3A_325 = tpu.memref_slice %arg4[%mul3A_316, %mul3A_318] : memref<16384x832xf32, #tpu.memory_space<hbm>> -> memref<128x32xf32, #tpu.memory_space<hbm>>
      %dma_start3A_326 = tpu.memref_slice %arg8[%dma_start3A_320] : memref<8x!tpu.dma_semaphore, #tpu.memory_space<semaphore_mem>> -> memref<1x!tpu.dma_semaphore, #tpu.memory_space<semaphore_mem>>
      %dma_start3A_327 = tpu.memref_squeeze %dma_start3A_326 : memref<1x!tpu.dma_semaphore, #tpu.memory_space<semaphore_mem>> -> memref<!tpu.dma_semaphore, #tpu.memory_space<semaphore_mem>>
      %dma_start3A_328 = tpu.memref_slice %arg4[%mul3A_316, %mul3A_318] : memref<16384x832xf32, #tpu.memory_space<hbm>> -> memref<128x32xf32, #tpu.memory_space<hbm>>
      %dma_start3A_329 = arith.constant 0 : i32
      %dma_start3A_330 = arith.constant 0 : i32
      %dma_start3A_331 = tpu.memref_slice %arg6[%dma_start3A_319, %dma_start3A_329, %dma_start3A_330] : memref<8x128x32xf32, #tpu.memory_space<vmem>> -> memref<1x128x32xf32, #tpu.memory_space<vmem>>
      %dma_start3A_332 = tpu.memref_squeeze %dma_start3A_331 : memref<1x128x32xf32, #tpu.memory_space<vmem>> -> memref<128x32xf32, #tpu.memory_space<vmem>>
      tpu.enqueue_dma source(%dma_start3A_332 : memref<128x32xf32, #tpu.memory_space<vmem>>) target(%dma_start3A_328 : memref<128x32xf32, #tpu.memory_space<hbm>>) target_semaphore(%dma_start3A_327 : memref<!tpu.dma_semaphore, #tpu.memory_space<semaphore_mem>>)
      %dma_wait3A_333 = arith.constant 1 : i32
      %dma_wait3A_334 = arith.constant 1 : i32
      %dma_wait3A_335 = arith.constant 0 : i32
      %dma_wait3A_336 = arith.constant 0 : i32
      %dma_wait3A_337 = tpu.memref_slice %arg6[%dma_wait3A_333, %dma_wait3A_335, %dma_wait3A_336] : memref<8x128x32xf32, #tpu.memory_space<vmem>> -> memref<1x128x32xf32, #tpu.memory_space<vmem>>
      %dma_wait3A_338 = tpu.memref_squeeze %dma_wait3A_337 : memref<1x128x32xf32, #tpu.memory_space<vmem>> -> memref<128x32xf32, #tpu.memory_space<vmem>>
      %dma_wait3A_339 = arith.constant 0 : i32
      %dma_wait3A_340 = arith.constant 0 : i32
      %dma_wait3A_341 = tpu.memref_slice %arg3[%dma_wait3A_339, %dma_wait3A_340] : memref<2600000x32xf32, #tpu.memory_space<hbm>> -> memref<128x32xf32, #tpu.memory_space<hbm>>
      %dma_wait3A_342 = tpu.memref_slice %arg7[%dma_wait3A_334] : memref<8x!tpu.dma_semaphore, #tpu.memory_space<semaphore_mem>> -> memref<1x!tpu.dma_semaphore, #tpu.memory_space<semaphore_mem>>
      %dma_wait3A_343 = tpu.memref_squeeze %dma_wait3A_342 : memref<1x!tpu.dma_semaphore, #tpu.memory_space<semaphore_mem>> -> memref<!tpu.dma_semaphore, #tpu.memory_space<semaphore_mem>>
      %dma_wait3A_344 = arith.constant 0 : i32
      %dma_wait3A_345 = arith.constant 0 : i32
      %dma_wait3A_346 = tpu.memref_slice %arg6[%dma_wait3A_333, %dma_wait3A_344, %dma_wait3A_345] : memref<8x128x32xf32, #tpu.memory_space<vmem>> -> memref<1x128x32xf32, #tpu.memory_space<vmem>>
      %dma_wait3A_347 = tpu.memref_squeeze %dma_wait3A_346 : memref<1x128x32xf32, #tpu.memory_space<vmem>> -> memref<128x32xf32, #tpu.memory_space<vmem>>
      %dma_wait3A_348 = arith.constant 0 : i32
      %dma_wait3A_349 = arith.constant 0 : i32
      %dma_wait3A_350 = tpu.memref_slice %arg3[%dma_wait3A_348, %dma_wait3A_349] : memref<2600000x32xf32, #tpu.memory_space<hbm>> -> memref<128x32xf32, #tpu.memory_space<hbm>>
      tpu.wait_dma2 semaphore(%dma_wait3A_343 : memref<!tpu.dma_semaphore, #tpu.memory_space<semaphore_mem>>) src(%dma_wait3A_350 : memref<128x32xf32, #tpu.memory_space<hbm>>) dst(%dma_wait3A_347 : memref<128x32xf32, #tpu.memory_space<vmem>>)
      %mul3A_351 = arith.constant 2 : i32
      %mul3A_352 = arith.muli %mul3A_351, %scan3A_214 : i32
      %add3A_353 = arith.constant 1 : i32
      %add3A_354 = arith.addi %mul3A_2, %add3A_353 : i32
      %mul3A_355 = arith.constant 128 : i32
      %mul3A_356 = arith.muli %add3A_354, %mul3A_355 : i32
      %mul3A_357 = arith.constant 32 : i32
      %mul3A_358 = arith.muli %mul3A_352, %mul3A_357 : i32
      %dma_start3A_359 = arith.constant 1 : i32
      %dma_start3A_360 = arith.constant 1 : i32
      %dma_start3A_361 = arith.constant 0 : i32
      %dma_start3A_362 = arith.constant 0 : i32
      %dma_start3A_363 = tpu.memref_slice %arg6[%dma_start3A_359, %dma_start3A_361, %dma_start3A_362] : memref<8x128x32xf32, #tpu.memory_space<vmem>> -> memref<1x128x32xf32, #tpu.memory_space<vmem>>
      %dma_start3A_364 = tpu.memref_squeeze %dma_start3A_363 : memref<1x128x32xf32, #tpu.memory_space<vmem>> -> memref<128x32xf32, #tpu.memory_space<vmem>>
      %dma_start3A_365 = tpu.memref_slice %arg4[%mul3A_356, %mul3A_358] : memref<16384x832xf32, #tpu.memory_space<hbm>> -> memref<128x32xf32, #tpu.memory_space<hbm>>
      %dma_start3A_366 = tpu.memref_slice %arg8[%dma_start3A_360] : memref<8x!tpu.dma_semaphore, #tpu.memory_space<semaphore_mem>> -> memref<1x!tpu.dma_semaphore, #tpu.memory_space<semaphore_mem>>
      %dma_start3A_367 = tpu.memref_squeeze %dma_start3A_366 : memref<1x!tpu.dma_semaphore, #tpu.memory_space<semaphore_mem>> -> memref<!tpu.dma_semaphore, #tpu.memory_space<semaphore_mem>>
      %dma_start3A_368 = tpu.memref_slice %arg4[%mul3A_356, %mul3A_358] : memref<16384x832xf32, #tpu.memory_space<hbm>> -> memref<128x32xf32, #tpu.memory_space<hbm>>
      %dma_start3A_369 = arith.constant 0 : i32
      %dma_start3A_370 = arith.constant 0 : i32
      %dma_start3A_371 = tpu.memref_slice %arg6[%dma_start3A_359, %dma_start3A_369, %dma_start3A_370] : memref<8x128x32xf32, #tpu.memory_space<vmem>> -> memref<1x128x32xf32, #tpu.memory_space<vmem>>
      %dma_start3A_372 = tpu.memref_squeeze %dma_start3A_371 : memref<1x128x32xf32, #tpu.memory_space<vmem>> -> memref<128x32xf32, #tpu.memory_space<vmem>>
      tpu.enqueue_dma source(%dma_start3A_372 : memref<128x32xf32, #tpu.memory_space<vmem>>) target(%dma_start3A_368 : memref<128x32xf32, #tpu.memory_space<hbm>>) target_semaphore(%dma_start3A_367 : memref<!tpu.dma_semaphore, #tpu.memory_space<semaphore_mem>>)
      %dma_wait3A_373 = arith.constant 2 : i32
      %dma_wait3A_374 = arith.constant 2 : i32
      %dma_wait3A_375 = arith.constant 0 : i32
      %dma_wait3A_376 = arith.constant 0 : i32
      %dma_wait3A_377 = tpu.memref_slice %arg6[%dma_wait3A_373, %dma_wait3A_375, %dma_wait3A_376] : memref<8x128x32xf32, #tpu.memory_space<vmem>> -> memref<1x128x32xf32, #tpu.memory_space<vmem>>
      %dma_wait3A_378 = tpu.memref_squeeze %dma_wait3A_377 : memref<1x128x32xf32, #tpu.memory_space<vmem>> -> memref<128x32xf32, #tpu.memory_space<vmem>>
      %dma_wait3A_379 = arith.constant 0 : i32
      %dma_wait3A_380 = arith.constant 0 : i32
      %dma_wait3A_381 = tpu.memref_slice %arg3[%dma_wait3A_379, %dma_wait3A_380] : memref<2600000x32xf32, #tpu.memory_space<hbm>> -> memref<128x32xf32, #tpu.memory_space<hbm>>
      %dma_wait3A_382 = tpu.memref_slice %arg7[%dma_wait3A_374] : memref<8x!tpu.dma_semaphore, #tpu.memory_space<semaphore_mem>> -> memref<1x!tpu.dma_semaphore, #tpu.memory_space<semaphore_mem>>
      %dma_wait3A_383 = tpu.memref_squeeze %dma_wait3A_382 : memref<1x!tpu.dma_semaphore, #tpu.memory_space<semaphore_mem>> -> memref<!tpu.dma_semaphore, #tpu.memory_space<semaphore_mem>>
      %dma_wait3A_384 = arith.constant 0 : i32
      %dma_wait3A_385 = arith.constant 0 : i32
      %dma_wait3A_386 = tpu.memref_slice %arg6[%dma_wait3A_373, %dma_wait3A_384, %dma_wait3A_385] : memref<8x128x32xf32, #tpu.memory_space<vmem>> -> memref<1x128x32xf32, #tpu.memory_space<vmem>>
      %dma_wait3A_387 = tpu.memref_squeeze %dma_wait3A_386 : memref<1x128x32xf32, #tpu.memory_space<vmem>> -> memref<128x32xf32, #tpu.memory_space<vmem>>
      %dma_wait3A_388 = arith.constant 0 : i32
      %dma_wait3A_389 = arith.constant 0 : i32
      %dma_wait3A_390 = tpu.memref_slice %arg3[%dma_wait3A_388, %dma_wait3A_389] : memref<2600000x32xf32, #tpu.memory_space<hbm>> -> memref<128x32xf32, #tpu.memory_space<hbm>>
      tpu.wait_dma2 semaphore(%dma_wait3A_383 : memref<!tpu.dma_semaphore, #tpu.memory_space<semaphore_mem>>) src(%dma_wait3A_390 : memref<128x32xf32, #tpu.memory_space<hbm>>) dst(%dma_wait3A_387 : memref<128x32xf32, #tpu.memory_space<vmem>>)
      %mul3A_391 = arith.constant 2 : i32
      %mul3A_392 = arith.muli %mul3A_391, %scan3A_214 : i32
      %add3A_393 = arith.constant 2 : i32
      %add3A_394 = arith.addi %mul3A_2, %add3A_393 : i32
      %mul3A_395 = arith.constant 128 : i32
      %mul3A_396 = arith.muli %add3A_394, %mul3A_395 : i32
      %mul3A_397 = arith.constant 32 : i32
      %mul3A_398 = arith.muli %mul3A_392, %mul3A_397 : i32
      %dma_start3A_399 = arith.constant 2 : i32
      %dma_start3A_400 = arith.constant 2 : i32
      %dma_start3A_401 = arith.constant 0 : i32
      %dma_start3A_402 = arith.constant 0 : i32
      %dma_start3A_403 = tpu.memref_slice %arg6[%dma_start3A_399, %dma_start3A_401, %dma_start3A_402] : memref<8x128x32xf32, #tpu.memory_space<vmem>> -> memref<1x128x32xf32, #tpu.memory_space<vmem>>
      %dma_start3A_404 = tpu.memref_squeeze %dma_start3A_403 : memref<1x128x32xf32, #tpu.memory_space<vmem>> -> memref<128x32xf32, #tpu.memory_space<vmem>>
      %dma_start3A_405 = tpu.memref_slice %arg4[%mul3A_396, %mul3A_398] : memref<16384x832xf32, #tpu.memory_space<hbm>> -> memref<128x32xf32, #tpu.memory_space<hbm>>
      %dma_start3A_406 = tpu.memref_slice %arg8[%dma_start3A_400] : memref<8x!tpu.dma_semaphore, #tpu.memory_space<semaphore_mem>> -> memref<1x!tpu.dma_semaphore, #tpu.memory_space<semaphore_mem>>
      %dma_start3A_407 = tpu.memref_squeeze %dma_start3A_406 : memref<1x!tpu.dma_semaphore, #tpu.memory_space<semaphore_mem>> -> memref<!tpu.dma_semaphore, #tpu.memory_space<semaphore_mem>>
      %dma_start3A_408 = tpu.memref_slice %arg4[%mul3A_396, %mul3A_398] : memref<16384x832xf32, #tpu.memory_space<hbm>> -> memref<128x32xf32, #tpu.memory_space<hbm>>
      %dma_start3A_409 = arith.constant 0 : i32
      %dma_start3A_410 = arith.constant 0 : i32
      %dma_start3A_411 = tpu.memref_slice %arg6[%dma_start3A_399, %dma_start3A_409, %dma_start3A_410] : memref<8x128x32xf32, #tpu.memory_space<vmem>> -> memref<1x128x32xf32, #tpu.memory_space<vmem>>
      %dma_start3A_412 = tpu.memref_squeeze %dma_start3A_411 : memref<1x128x32xf32, #tpu.memory_space<vmem>> -> memref<128x32xf32, #tpu.memory_space<vmem>>
      tpu.enqueue_dma source(%dma_start3A_412 : memref<128x32xf32, #tpu.memory_space<vmem>>) target(%dma_start3A_408 : memref<128x32xf32, #tpu.memory_space<hbm>>) target_semaphore(%dma_start3A_407 : memref<!tpu.dma_semaphore, #tpu.memory_space<semaphore_mem>>)
      %dma_wait3A_413 = arith.constant 3 : i32
      %dma_wait3A_414 = arith.constant 3 : i32
      %dma_wait3A_415 = arith.constant 0 : i32
      %dma_wait3A_416 = arith.constant 0 : i32
      %dma_wait3A_417 = tpu.memref_slice %arg6[%dma_wait3A_413, %dma_wait3A_415, %dma_wait3A_416] : memref<8x128x32xf32, #tpu.memory_space<vmem>> -> memref<1x128x32xf32, #tpu.memory_space<vmem>>
      %dma_wait3A_418 = tpu.memref_squeeze %dma_wait3A_417 : memref<1x128x32xf32, #tpu.memory_space<vmem>> -> memref<128x32xf32, #tpu.memory_space<vmem>>
      %dma_wait3A_419 = arith.constant 0 : i32
      %dma_wait3A_420 = arith.constant 0 : i32
      %dma_wait3A_421 = tpu.memref_slice %arg3[%dma_wait3A_419, %dma_wait3A_420] : memref<2600000x32xf32, #tpu.memory_space<hbm>> -> memref<128x32xf32, #tpu.memory_space<hbm>>
      %dma_wait3A_422 = tpu.memref_slice %arg7[%dma_wait3A_414] : memref<8x!tpu.dma_semaphore, #tpu.memory_space<semaphore_mem>> -> memref<1x!tpu.dma_semaphore, #tpu.memory_space<semaphore_mem>>
      %dma_wait3A_423 = tpu.memref_squeeze %dma_wait3A_422 : memref<1x!tpu.dma_semaphore, #tpu.memory_space<semaphore_mem>> -> memref<!tpu.dma_semaphore, #tpu.memory_space<semaphore_mem>>
      %dma_wait3A_424 = arith.constant 0 : i32
      %dma_wait3A_425 = arith.constant 0 : i32
      %dma_wait3A_426 = tpu.memref_slice %arg6[%dma_wait3A_413, %dma_wait3A_424, %dma_wait3A_425] : memref<8x128x32xf32, #tpu.memory_space<vmem>> -> memref<1x128x32xf32, #tpu.memory_space<vmem>>
      %dma_wait3A_427 = tpu.memref_squeeze %dma_wait3A_426 : memref<1x128x32xf32, #tpu.memory_space<vmem>> -> memref<128x32xf32, #tpu.memory_space<vmem>>
      %dma_wait3A_428 = arith.constant 0 : i32
      %dma_wait3A_429 = arith.constant 0 : i32
      %dma_wait3A_430 = tpu.memref_slice %arg3[%dma_wait3A_428, %dma_wait3A_429] : memref<2600000x32xf32, #tpu.memory_space<hbm>> -> memref<128x32xf32, #tpu.memory_space<hbm>>
      tpu.wait_dma2 semaphore(%dma_wait3A_423 : memref<!tpu.dma_semaphore, #tpu.memory_space<semaphore_mem>>) src(%dma_wait3A_430 : memref<128x32xf32, #tpu.memory_space<hbm>>) dst(%dma_wait3A_427 : memref<128x32xf32, #tpu.memory_space<vmem>>)
      %mul3A_431 = arith.constant 2 : i32
      %mul3A_432 = arith.muli %mul3A_431, %scan3A_214 : i32
      %add3A_433 = arith.constant 3 : i32
      %add3A_434 = arith.addi %mul3A_2, %add3A_433 : i32
      %mul3A_435 = arith.constant 128 : i32
      %mul3A_436 = arith.muli %add3A_434, %mul3A_435 : i32
      %mul3A_437 = arith.constant 32 : i32
      %mul3A_438 = arith.muli %mul3A_432, %mul3A_437 : i32
      %dma_start3A_439 = arith.constant 3 : i32
      %dma_start3A_440 = arith.constant 3 : i32
      %dma_start3A_441 = arith.constant 0 : i32
      %dma_start3A_442 = arith.constant 0 : i32
      %dma_start3A_443 = tpu.memref_slice %arg6[%dma_start3A_439, %dma_start3A_441, %dma_start3A_442] : memref<8x128x32xf32, #tpu.memory_space<vmem>> -> memref<1x128x32xf32, #tpu.memory_space<vmem>>
      %dma_start3A_444 = tpu.memref_squeeze %dma_start3A_443 : memref<1x128x32xf32, #tpu.memory_space<vmem>> -> memref<128x32xf32, #tpu.memory_space<vmem>>
      %dma_start3A_445 = tpu.memref_slice %arg4[%mul3A_436, %mul3A_438] : memref<16384x832xf32, #tpu.memory_space<hbm>> -> memref<128x32xf32, #tpu.memory_space<hbm>>
      %dma_start3A_446 = tpu.memref_slice %arg8[%dma_start3A_440] : memref<8x!tpu.dma_semaphore, #tpu.memory_space<semaphore_mem>> -> memref<1x!tpu.dma_semaphore, #tpu.memory_space<semaphore_mem>>
      %dma_start3A_447 = tpu.memref_squeeze %dma_start3A_446 : memref<1x!tpu.dma_semaphore, #tpu.memory_space<semaphore_mem>> -> memref<!tpu.dma_semaphore, #tpu.memory_space<semaphore_mem>>
      %dma_start3A_448 = tpu.memref_slice %arg4[%mul3A_436, %mul3A_438] : memref<16384x832xf32, #tpu.memory_space<hbm>> -> memref<128x32xf32, #tpu.memory_space<hbm>>
      %dma_start3A_449 = arith.constant 0 : i32
      %dma_start3A_450 = arith.constant 0 : i32
      %dma_start3A_451 = tpu.memref_slice %arg6[%dma_start3A_439, %dma_start3A_449, %dma_start3A_450] : memref<8x128x32xf32, #tpu.memory_space<vmem>> -> memref<1x128x32xf32, #tpu.memory_space<vmem>>
      %dma_start3A_452 = tpu.memref_squeeze %dma_start3A_451 : memref<1x128x32xf32, #tpu.memory_space<vmem>> -> memref<128x32xf32, #tpu.memory_space<vmem>>
      tpu.enqueue_dma source(%dma_start3A_452 : memref<128x32xf32, #tpu.memory_space<vmem>>) target(%dma_start3A_448 : memref<128x32xf32, #tpu.memory_space<hbm>>) target_semaphore(%dma_start3A_447 : memref<!tpu.dma_semaphore, #tpu.memory_space<semaphore_mem>>)
      %lt3A = arith.constant 12 : i32
      %lt3A_453 = arith.cmpi slt, %scan3A_214, %lt3A : i32
      %convert_element_type3A_454 = arith.extui %lt3A_453 : i1 to i32
      %cond3A_455 = arith.constant 0 : i32
      %cond3A_456 = arith.cmpi ne, %convert_element_type3A_454, %cond3A_455 : i32
      scf.if %cond3A_456 {
        %dma_wait3A_625 = arith.constant 0 : i32
        %dma_wait3A_626 = arith.constant 0 : i32
        %dma_wait3A_627 = arith.constant 0 : i32
        %dma_wait3A_628 = arith.constant 0 : i32
        %dma_wait3A_629 = tpu.memref_slice %arg6[%dma_wait3A_625, %dma_wait3A_627, %dma_wait3A_628] : memref<8x128x32xf32, #tpu.memory_space<vmem>> -> memref<1x128x32xf32, #tpu.memory_space<vmem>>
        %dma_wait3A_630 = tpu.memref_squeeze %dma_wait3A_629 : memref<1x128x32xf32, #tpu.memory_space<vmem>> -> memref<128x32xf32, #tpu.memory_space<vmem>>
        %dma_wait3A_631 = arith.constant 0 : i32
        %dma_wait3A_632 = arith.constant 0 : i32
        %dma_wait3A_633 = tpu.memref_slice %arg4[%dma_wait3A_631, %dma_wait3A_632] : memref<16384x832xf32, #tpu.memory_space<hbm>> -> memref<128x32xf32, #tpu.memory_space<hbm>>
        %dma_wait3A_634 = tpu.memref_slice %arg8[%dma_wait3A_626] : memref<8x!tpu.dma_semaphore, #tpu.memory_space<semaphore_mem>> -> memref<1x!tpu.dma_semaphore, #tpu.memory_space<semaphore_mem>>
        %dma_wait3A_635 = tpu.memref_squeeze %dma_wait3A_634 : memref<1x!tpu.dma_semaphore, #tpu.memory_space<semaphore_mem>> -> memref<!tpu.dma_semaphore, #tpu.memory_space<semaphore_mem>>
        %dma_wait3A_636 = arith.constant 0 : i32
        %dma_wait3A_637 = arith.constant 0 : i32
        %dma_wait3A_638 = tpu.memref_slice %arg4[%dma_wait3A_636, %dma_wait3A_637] : memref<16384x832xf32, #tpu.memory_space<hbm>> -> memref<128x32xf32, #tpu.memory_space<hbm>>
        %dma_wait3A_639 = arith.constant 0 : i32
        %dma_wait3A_640 = arith.constant 0 : i32
        %dma_wait3A_641 = tpu.memref_slice %arg6[%dma_wait3A_625, %dma_wait3A_639, %dma_wait3A_640] : memref<8x128x32xf32, #tpu.memory_space<vmem>> -> memref<1x128x32xf32, #tpu.memory_space<vmem>>
        %dma_wait3A_642 = tpu.memref_squeeze %dma_wait3A_641 : memref<1x128x32xf32, #tpu.memory_space<vmem>> -> memref<128x32xf32, #tpu.memory_space<vmem>>
        tpu.wait_dma2 semaphore(%dma_wait3A_635 : memref<!tpu.dma_semaphore, #tpu.memory_space<semaphore_mem>>) src(%dma_wait3A_642 : memref<128x32xf32, #tpu.memory_space<vmem>>) dst(%dma_wait3A_638 : memref<128x32xf32, #tpu.memory_space<hbm>>)
        %mul3A_643 = arith.constant 2 : i32
        %mul3A_644 = arith.muli %mul3A_643, %scan3A_214 : i32
        %add3A_645 = arith.constant 2 : i32
        %add3A_646 = arith.addi %mul3A_644, %add3A_645 : i32
        %dma_start3A_647 = arith.constant 0 : i32
        %dma_start3A_648 = arith.constant 0 : i32
        %dma_start3A_649 = arith.constant 0 : i32
        %dma_start3A_650 = arith.constant 0 : i32
        %dma_start3A_651 = arith.constant 0 : i32
        %dma_start3A_652 = tpu.memref_slice %arg6[%dma_start3A_648, %dma_start3A_650, %dma_start3A_651] : memref<8x128x32xf32, #tpu.memory_space<vmem>> -> memref<1x128x32xf32, #tpu.memory_space<vmem>>
        %dma_start3A_653 = tpu.memref_squeeze %dma_start3A_652 : memref<1x128x32xf32, #tpu.memory_space<vmem>> -> memref<128x32xf32, #tpu.memory_space<vmem>>
        %dma_start3A_654 = arith.constant 0 : i32
        %dma_start3A_655 = tpu.memref_slice %arg5[%add3A_646, %dma_start3A_647, %dma_start3A_654] : memref<26x4x128xi32, #tpu.memory_space<vmem>> -> memref<1x1x128xi32, #tpu.memory_space<vmem>>
        %dma_start3A_656 = tpu.memref_squeeze %dma_start3A_655 : memref<1x1x128xi32, #tpu.memory_space<vmem>> -> memref<128xi32, #tpu.memory_space<vmem>>
        %dma_start3A_657 = arith.constant 0 : i32
        %dma_start3A_658 = arith.constant 0 : i32
        %dma_start3A_659 = tpu.memref_slice %arg3[%dma_start3A_657, %dma_start3A_658] : memref<2600000x32xf32, #tpu.memory_space<hbm>> -> memref<2600000x32xf32, #tpu.memory_space<hbm>>
        %dma_start3A_660 = tpu.memref_slice %arg7[%dma_start3A_649] : memref<8x!tpu.dma_semaphore, #tpu.memory_space<semaphore_mem>> -> memref<1x!tpu.dma_semaphore, #tpu.memory_space<semaphore_mem>>
        %dma_start3A_661 = tpu.memref_squeeze %dma_start3A_660 : memref<1x!tpu.dma_semaphore, #tpu.memory_space<semaphore_mem>> -> memref<!tpu.dma_semaphore, #tpu.memory_space<semaphore_mem>>
        tpu.enqueue_indirect_dma source(%dma_start3A_659 : memref<2600000x32xf32, #tpu.memory_space<hbm>>) target(%dma_start3A_653 : memref<128x32xf32, #tpu.memory_space<vmem>>) offsets(%dma_start3A_656 : memref<128xi32, #tpu.memory_space<vmem>>) semaphore(%dma_start3A_661 : memref<!tpu.dma_semaphore, #tpu.memory_space<semaphore_mem>>)
        %dma_wait3A_662 = arith.constant 1 : i32
        %dma_wait3A_663 = arith.constant 1 : i32
        %dma_wait3A_664 = arith.constant 0 : i32
        %dma_wait3A_665 = arith.constant 0 : i32
        %dma_wait3A_666 = tpu.memref_slice %arg6[%dma_wait3A_662, %dma_wait3A_664, %dma_wait3A_665] : memref<8x128x32xf32, #tpu.memory_space<vmem>> -> memref<1x128x32xf32, #tpu.memory_space<vmem>>
        %dma_wait3A_667 = tpu.memref_squeeze %dma_wait3A_666 : memref<1x128x32xf32, #tpu.memory_space<vmem>> -> memref<128x32xf32, #tpu.memory_space<vmem>>
        %dma_wait3A_668 = arith.constant 0 : i32
        %dma_wait3A_669 = arith.constant 0 : i32
        %dma_wait3A_670 = tpu.memref_slice %arg4[%dma_wait3A_668, %dma_wait3A_669] : memref<16384x832xf32, #tpu.memory_space<hbm>> -> memref<128x32xf32, #tpu.memory_space<hbm>>
        %dma_wait3A_671 = tpu.memref_slice %arg8[%dma_wait3A_663] : memref<8x!tpu.dma_semaphore, #tpu.memory_space<semaphore_mem>> -> memref<1x!tpu.dma_semaphore, #tpu.memory_space<semaphore_mem>>
        %dma_wait3A_672 = tpu.memref_squeeze %dma_wait3A_671 : memref<1x!tpu.dma_semaphore, #tpu.memory_space<semaphore_mem>> -> memref<!tpu.dma_semaphore, #tpu.memory_space<semaphore_mem>>
        %dma_wait3A_673 = arith.constant 0 : i32
        %dma_wait3A_674 = arith.constant 0 : i32
        %dma_wait3A_675 = tpu.memref_slice %arg4[%dma_wait3A_673, %dma_wait3A_674] : memref<16384x832xf32, #tpu.memory_space<hbm>> -> memref<128x32xf32, #tpu.memory_space<hbm>>
        %dma_wait3A_676 = arith.constant 0 : i32
        %dma_wait3A_677 = arith.constant 0 : i32
        %dma_wait3A_678 = tpu.memref_slice %arg6[%dma_wait3A_662, %dma_wait3A_676, %dma_wait3A_677] : memref<8x128x32xf32, #tpu.memory_space<vmem>> -> memref<1x128x32xf32, #tpu.memory_space<vmem>>
        %dma_wait3A_679 = tpu.memref_squeeze %dma_wait3A_678 : memref<1x128x32xf32, #tpu.memory_space<vmem>> -> memref<128x32xf32, #tpu.memory_space<vmem>>
        tpu.wait_dma2 semaphore(%dma_wait3A_672 : memref<!tpu.dma_semaphore, #tpu.memory_space<semaphore_mem>>) src(%dma_wait3A_679 : memref<128x32xf32, #tpu.memory_space<vmem>>) dst(%dma_wait3A_675 : memref<128x32xf32, #tpu.memory_space<hbm>>)
        %mul3A_680 = arith.constant 2 : i32
        %mul3A_681 = arith.muli %mul3A_680, %scan3A_214 : i32
        %add3A_682 = arith.constant 2 : i32
        %add3A_683 = arith.addi %mul3A_681, %add3A_682 : i32
        %dma_start3A_684 = arith.constant 1 : i32
        %dma_start3A_685 = arith.constant 1 : i32
        %dma_start3A_686 = arith.constant 1 : i32
        %dma_start3A_687 = arith.constant 0 : i32
        %dma_start3A_688 = arith.constant 0 : i32
        %dma_start3A_689 = tpu.memref_slice %arg6[%dma_start3A_685, %dma_start3A_687, %dma_start3A_688] : memref<8x128x32xf32, #tpu.memory_space<vmem>> -> memref<1x128x32xf32, #tpu.memory_space<vmem>>
        %dma_start3A_690 = tpu.memref_squeeze %dma_start3A_689 : memref<1x128x32xf32, #tpu.memory_space<vmem>> -> memref<128x32xf32, #tpu.memory_space<vmem>>
        %dma_start3A_691 = arith.constant 0 : i32
        %dma_start3A_692 = tpu.memref_slice %arg5[%add3A_683, %dma_start3A_684, %dma_start3A_691] : memref<26x4x128xi32, #tpu.memory_space<vmem>> -> memref<1x1x128xi32, #tpu.memory_space<vmem>>
        %dma_start3A_693 = tpu.memref_squeeze %dma_start3A_692 : memref<1x1x128xi32, #tpu.memory_space<vmem>> -> memref<128xi32, #tpu.memory_space<vmem>>
        %dma_start3A_694 = arith.constant 0 : i32
        %dma_start3A_695 = arith.constant 0 : i32
        %dma_start3A_696 = tpu.memref_slice %arg3[%dma_start3A_694, %dma_start3A_695] : memref<2600000x32xf32, #tpu.memory_space<hbm>> -> memref<2600000x32xf32, #tpu.memory_space<hbm>>
        %dma_start3A_697 = tpu.memref_slice %arg7[%dma_start3A_686] : memref<8x!tpu.dma_semaphore, #tpu.memory_space<semaphore_mem>> -> memref<1x!tpu.dma_semaphore, #tpu.memory_space<semaphore_mem>>
        %dma_start3A_698 = tpu.memref_squeeze %dma_start3A_697 : memref<1x!tpu.dma_semaphore, #tpu.memory_space<semaphore_mem>> -> memref<!tpu.dma_semaphore, #tpu.memory_space<semaphore_mem>>
        tpu.enqueue_indirect_dma source(%dma_start3A_696 : memref<2600000x32xf32, #tpu.memory_space<hbm>>) target(%dma_start3A_690 : memref<128x32xf32, #tpu.memory_space<vmem>>) offsets(%dma_start3A_693 : memref<128xi32, #tpu.memory_space<vmem>>) semaphore(%dma_start3A_698 : memref<!tpu.dma_semaphore, #tpu.memory_space<semaphore_mem>>)
        %dma_wait3A_699 = arith.constant 2 : i32
        %dma_wait3A_700 = arith.constant 2 : i32
        %dma_wait3A_701 = arith.constant 0 : i32
        %dma_wait3A_702 = arith.constant 0 : i32
        %dma_wait3A_703 = tpu.memref_slice %arg6[%dma_wait3A_699, %dma_wait3A_701, %dma_wait3A_702] : memref<8x128x32xf32, #tpu.memory_space<vmem>> -> memref<1x128x32xf32, #tpu.memory_space<vmem>>
        %dma_wait3A_704 = tpu.memref_squeeze %dma_wait3A_703 : memref<1x128x32xf32, #tpu.memory_space<vmem>> -> memref<128x32xf32, #tpu.memory_space<vmem>>
        %dma_wait3A_705 = arith.constant 0 : i32
        %dma_wait3A_706 = arith.constant 0 : i32
        %dma_wait3A_707 = tpu.memref_slice %arg4[%dma_wait3A_705, %dma_wait3A_706] : memref<16384x832xf32, #tpu.memory_space<hbm>> -> memref<128x32xf32, #tpu.memory_space<hbm>>
        %dma_wait3A_708 = tpu.memref_slice %arg8[%dma_wait3A_700] : memref<8x!tpu.dma_semaphore, #tpu.memory_space<semaphore_mem>> -> memref<1x!tpu.dma_semaphore, #tpu.memory_space<semaphore_mem>>
        %dma_wait3A_709 = tpu.memref_squeeze %dma_wait3A_708 : memref<1x!tpu.dma_semaphore, #tpu.memory_space<semaphore_mem>> -> memref<!tpu.dma_semaphore, #tpu.memory_space<semaphore_mem>>
        %dma_wait3A_710 = arith.constant 0 : i32
        %dma_wait3A_711 = arith.constant 0 : i32
        %dma_wait3A_712 = tpu.memref_slice %arg4[%dma_wait3A_710, %dma_wait3A_711] : memref<16384x832xf32, #tpu.memory_space<hbm>> -> memref<128x32xf32, #tpu.memory_space<hbm>>
        %dma_wait3A_713 = arith.constant 0 : i32
        %dma_wait3A_714 = arith.constant 0 : i32
        %dma_wait3A_715 = tpu.memref_slice %arg6[%dma_wait3A_699, %dma_wait3A_713, %dma_wait3A_714] : memref<8x128x32xf32, #tpu.memory_space<vmem>> -> memref<1x128x32xf32, #tpu.memory_space<vmem>>
        %dma_wait3A_716 = tpu.memref_squeeze %dma_wait3A_715 : memref<1x128x32xf32, #tpu.memory_space<vmem>> -> memref<128x32xf32, #tpu.memory_space<vmem>>
        tpu.wait_dma2 semaphore(%dma_wait3A_709 : memref<!tpu.dma_semaphore, #tpu.memory_space<semaphore_mem>>) src(%dma_wait3A_716 : memref<128x32xf32, #tpu.memory_space<vmem>>) dst(%dma_wait3A_712 : memref<128x32xf32, #tpu.memory_space<hbm>>)
        %mul3A_717 = arith.constant 2 : i32
        %mul3A_718 = arith.muli %mul3A_717, %scan3A_214 : i32
        %add3A_719 = arith.constant 2 : i32
        %add3A_720 = arith.addi %mul3A_718, %add3A_719 : i32
        %dma_start3A_721 = arith.constant 2 : i32
        %dma_start3A_722 = arith.constant 2 : i32
        %dma_start3A_723 = arith.constant 2 : i32
        %dma_start3A_724 = arith.constant 0 : i32
        %dma_start3A_725 = arith.constant 0 : i32
        %dma_start3A_726 = tpu.memref_slice %arg6[%dma_start3A_722, %dma_start3A_724, %dma_start3A_725] : memref<8x128x32xf32, #tpu.memory_space<vmem>> -> memref<1x128x32xf32, #tpu.memory_space<vmem>>
        %dma_start3A_727 = tpu.memref_squeeze %dma_start3A_726 : memref<1x128x32xf32, #tpu.memory_space<vmem>> -> memref<128x32xf32, #tpu.memory_space<vmem>>
        %dma_start3A_728 = arith.constant 0 : i32
        %dma_start3A_729 = tpu.memref_slice %arg5[%add3A_720, %dma_start3A_721, %dma_start3A_728] : memref<26x4x128xi32, #tpu.memory_space<vmem>> -> memref<1x1x128xi32, #tpu.memory_space<vmem>>
        %dma_start3A_730 = tpu.memref_squeeze %dma_start3A_729 : memref<1x1x128xi32, #tpu.memory_space<vmem>> -> memref<128xi32, #tpu.memory_space<vmem>>
        %dma_start3A_731 = arith.constant 0 : i32
        %dma_start3A_732 = arith.constant 0 : i32
        %dma_start3A_733 = tpu.memref_slice %arg3[%dma_start3A_731, %dma_start3A_732] : memref<2600000x32xf32, #tpu.memory_space<hbm>> -> memref<2600000x32xf32, #tpu.memory_space<hbm>>
        %dma_start3A_734 = tpu.memref_slice %arg7[%dma_start3A_723] : memref<8x!tpu.dma_semaphore, #tpu.memory_space<semaphore_mem>> -> memref<1x!tpu.dma_semaphore, #tpu.memory_space<semaphore_mem>>
        %dma_start3A_735 = tpu.memref_squeeze %dma_start3A_734 : memref<1x!tpu.dma_semaphore, #tpu.memory_space<semaphore_mem>> -> memref<!tpu.dma_semaphore, #tpu.memory_space<semaphore_mem>>
        tpu.enqueue_indirect_dma source(%dma_start3A_733 : memref<2600000x32xf32, #tpu.memory_space<hbm>>) target(%dma_start3A_727 : memref<128x32xf32, #tpu.memory_space<vmem>>) offsets(%dma_start3A_730 : memref<128xi32, #tpu.memory_space<vmem>>) semaphore(%dma_start3A_735 : memref<!tpu.dma_semaphore, #tpu.memory_space<semaphore_mem>>)
        %dma_wait3A_736 = arith.constant 3 : i32
        %dma_wait3A_737 = arith.constant 3 : i32
        %dma_wait3A_738 = arith.constant 0 : i32
        %dma_wait3A_739 = arith.constant 0 : i32
        %dma_wait3A_740 = tpu.memref_slice %arg6[%dma_wait3A_736, %dma_wait3A_738, %dma_wait3A_739] : memref<8x128x32xf32, #tpu.memory_space<vmem>> -> memref<1x128x32xf32, #tpu.memory_space<vmem>>
        %dma_wait3A_741 = tpu.memref_squeeze %dma_wait3A_740 : memref<1x128x32xf32, #tpu.memory_space<vmem>> -> memref<128x32xf32, #tpu.memory_space<vmem>>
        %dma_wait3A_742 = arith.constant 0 : i32
        %dma_wait3A_743 = arith.constant 0 : i32
        %dma_wait3A_744 = tpu.memref_slice %arg4[%dma_wait3A_742, %dma_wait3A_743] : memref<16384x832xf32, #tpu.memory_space<hbm>> -> memref<128x32xf32, #tpu.memory_space<hbm>>
        %dma_wait3A_745 = tpu.memref_slice %arg8[%dma_wait3A_737] : memref<8x!tpu.dma_semaphore, #tpu.memory_space<semaphore_mem>> -> memref<1x!tpu.dma_semaphore, #tpu.memory_space<semaphore_mem>>
        %dma_wait3A_746 = tpu.memref_squeeze %dma_wait3A_745 : memref<1x!tpu.dma_semaphore, #tpu.memory_space<semaphore_mem>> -> memref<!tpu.dma_semaphore, #tpu.memory_space<semaphore_mem>>
        %dma_wait3A_747 = arith.constant 0 : i32
        %dma_wait3A_748 = arith.constant 0 : i32
        %dma_wait3A_749 = tpu.memref_slice %arg4[%dma_wait3A_747, %dma_wait3A_748] : memref<16384x832xf32, #tpu.memory_space<hbm>> -> memref<128x32xf32, #tpu.memory_space<hbm>>
        %dma_wait3A_750 = arith.constant 0 : i32
        %dma_wait3A_751 = arith.constant 0 : i32
        %dma_wait3A_752 = tpu.memref_slice %arg6[%dma_wait3A_736, %dma_wait3A_750, %dma_wait3A_751] : memref<8x128x32xf32, #tpu.memory_space<vmem>> -> memref<1x128x32xf32, #tpu.memory_space<vmem>>
        %dma_wait3A_753 = tpu.memref_squeeze %dma_wait3A_752 : memref<1x128x32xf32, #tpu.memory_space<vmem>> -> memref<128x32xf32, #tpu.memory_space<vmem>>
        tpu.wait_dma2 semaphore(%dma_wait3A_746 : memref<!tpu.dma_semaphore, #tpu.memory_space<semaphore_mem>>) src(%dma_wait3A_753 : memref<128x32xf32, #tpu.memory_space<vmem>>) dst(%dma_wait3A_749 : memref<128x32xf32, #tpu.memory_space<hbm>>)
        %mul3A_754 = arith.constant 2 : i32
        %mul3A_755 = arith.muli %mul3A_754, %scan3A_214 : i32
        %add3A_756 = arith.constant 2 : i32
        %add3A_757 = arith.addi %mul3A_755, %add3A_756 : i32
        %dma_start3A_758 = arith.constant 3 : i32
        %dma_start3A_759 = arith.constant 3 : i32
        %dma_start3A_760 = arith.constant 3 : i32
        %dma_start3A_761 = arith.constant 0 : i32
        %dma_start3A_762 = arith.constant 0 : i32
        %dma_start3A_763 = tpu.memref_slice %arg6[%dma_start3A_759, %dma_start3A_761, %dma_start3A_762] : memref<8x128x32xf32, #tpu.memory_space<vmem>> -> memref<1x128x32xf32, #tpu.memory_space<vmem>>
        %dma_start3A_764 = tpu.memref_squeeze %dma_start3A_763 : memref<1x128x32xf32, #tpu.memory_space<vmem>> -> memref<128x32xf32, #tpu.memory_space<vmem>>
        %dma_start3A_765 = arith.constant 0 : i32
        %dma_start3A_766 = tpu.memref_slice %arg5[%add3A_757, %dma_start3A_758, %dma_start3A_765] : memref<26x4x128xi32, #tpu.memory_space<vmem>> -> memref<1x1x128xi32, #tpu.memory_space<vmem>>
        %dma_start3A_767 = tpu.memref_squeeze %dma_start3A_766 : memref<1x1x128xi32, #tpu.memory_space<vmem>> -> memref<128xi32, #tpu.memory_space<vmem>>
        %dma_start3A_768 = arith.constant 0 : i32
        %dma_start3A_769 = arith.constant 0 : i32
        %dma_start3A_770 = tpu.memref_slice %arg3[%dma_start3A_768, %dma_start3A_769] : memref<2600000x32xf32, #tpu.memory_space<hbm>> -> memref<2600000x32xf32, #tpu.memory_space<hbm>>
        %dma_start3A_771 = tpu.memref_slice %arg7[%dma_start3A_760] : memref<8x!tpu.dma_semaphore, #tpu.memory_space<semaphore_mem>> -> memref<1x!tpu.dma_semaphore, #tpu.memory_space<semaphore_mem>>
        %dma_start3A_772 = tpu.memref_squeeze %dma_start3A_771 : memref<1x!tpu.dma_semaphore, #tpu.memory_space<semaphore_mem>> -> memref<!tpu.dma_semaphore, #tpu.memory_space<semaphore_mem>>
        tpu.enqueue_indirect_dma source(%dma_start3A_770 : memref<2600000x32xf32, #tpu.memory_space<hbm>>) target(%dma_start3A_764 : memref<128x32xf32, #tpu.memory_space<vmem>>) offsets(%dma_start3A_767 : memref<128xi32, #tpu.memory_space<vmem>>) semaphore(%dma_start3A_772 : memref<!tpu.dma_semaphore, #tpu.memory_space<semaphore_mem>>)
      } else {
      }
      %dma_wait3A_457 = arith.constant 4 : i32
      %dma_wait3A_458 = arith.constant 4 : i32
      %dma_wait3A_459 = arith.constant 0 : i32
      %dma_wait3A_460 = arith.constant 0 : i32
      %dma_wait3A_461 = tpu.memref_slice %arg6[%dma_wait3A_457, %dma_wait3A_459, %dma_wait3A_460] : memref<8x128x32xf32, #tpu.memory_space<vmem>> -> memref<1x128x32xf32, #tpu.memory_space<vmem>>
      %dma_wait3A_462 = tpu.memref_squeeze %dma_wait3A_461 : memref<1x128x32xf32, #tpu.memory_space<vmem>> -> memref<128x32xf32, #tpu.memory_space<vmem>>
      %dma_wait3A_463 = arith.constant 0 : i32
      %dma_wait3A_464 = arith.constant 0 : i32
      %dma_wait3A_465 = tpu.memref_slice %arg3[%dma_wait3A_463, %dma_wait3A_464] : memref<2600000x32xf32, #tpu.memory_space<hbm>> -> memref<128x32xf32, #tpu.memory_space<hbm>>
      %dma_wait3A_466 = tpu.memref_slice %arg7[%dma_wait3A_458] : memref<8x!tpu.dma_semaphore, #tpu.memory_space<semaphore_mem>> -> memref<1x!tpu.dma_semaphore, #tpu.memory_space<semaphore_mem>>
      %dma_wait3A_467 = tpu.memref_squeeze %dma_wait3A_466 : memref<1x!tpu.dma_semaphore, #tpu.memory_space<semaphore_mem>> -> memref<!tpu.dma_semaphore, #tpu.memory_space<semaphore_mem>>
      %dma_wait3A_468 = arith.constant 0 : i32
      %dma_wait3A_469 = arith.constant 0 : i32
      %dma_wait3A_470 = tpu.memref_slice %arg6[%dma_wait3A_457, %dma_wait3A_468, %dma_wait3A_469] : memref<8x128x32xf32, #tpu.memory_space<vmem>> -> memref<1x128x32xf32, #tpu.memory_space<vmem>>
      %dma_wait3A_471 = tpu.memref_squeeze %dma_wait3A_470 : memref<1x128x32xf32, #tpu.memory_space<vmem>> -> memref<128x32xf32, #tpu.memory_space<vmem>>
      %dma_wait3A_472 = arith.constant 0 : i32
      %dma_wait3A_473 = arith.constant 0 : i32
      %dma_wait3A_474 = tpu.memref_slice %arg3[%dma_wait3A_472, %dma_wait3A_473] : memref<2600000x32xf32, #tpu.memory_space<hbm>> -> memref<128x32xf32, #tpu.memory_space<hbm>>
      tpu.wait_dma2 semaphore(%dma_wait3A_467 : memref<!tpu.dma_semaphore, #tpu.memory_space<semaphore_mem>>) src(%dma_wait3A_474 : memref<128x32xf32, #tpu.memory_space<hbm>>) dst(%dma_wait3A_471 : memref<128x32xf32, #tpu.memory_space<vmem>>)
      %mul3A_475 = arith.constant 2 : i32
      %mul3A_476 = arith.muli %mul3A_475, %scan3A_214 : i32
      %add3A_477 = arith.constant 1 : i32
      %add3A_478 = arith.addi %mul3A_476, %add3A_477 : i32
      %add3A_479 = arith.constant 0 : i32
      %add3A_480 = arith.addi %mul3A_2, %add3A_479 : i32
      %mul3A_481 = arith.constant 128 : i32
      %mul3A_482 = arith.muli %add3A_480, %mul3A_481 : i32
      %mul3A_483 = arith.constant 32 : i32
      %mul3A_484 = arith.muli %add3A_478, %mul3A_483 : i32
      %dma_start3A_485 = arith.constant 4 : i32
      %dma_start3A_486 = arith.constant 4 : i32
      %dma_start3A_487 = arith.constant 0 : i32
      %dma_start3A_488 = arith.constant 0 : i32
      %dma_start3A_489 = tpu.memref_slice %arg6[%dma_start3A_485, %dma_start3A_487, %dma_start3A_488] : memref<8x128x32xf32, #tpu.memory_space<vmem>> -> memref<1x128x32xf32, #tpu.memory_space<vmem>>
      %dma_start3A_490 = tpu.memref_squeeze %dma_start3A_489 : memref<1x128x32xf32, #tpu.memory_space<vmem>> -> memref<128x32xf32, #tpu.memory_space<vmem>>
      %dma_start3A_491 = tpu.memref_slice %arg4[%mul3A_482, %mul3A_484] : memref<16384x832xf32, #tpu.memory_space<hbm>> -> memref<128x32xf32, #tpu.memory_space<hbm>>
      %dma_start3A_492 = tpu.memref_slice %arg8[%dma_start3A_486] : memref<8x!tpu.dma_semaphore, #tpu.memory_space<semaphore_mem>> -> memref<1x!tpu.dma_semaphore, #tpu.memory_space<semaphore_mem>>
      %dma_start3A_493 = tpu.memref_squeeze %dma_start3A_492 : memref<1x!tpu.dma_semaphore, #tpu.memory_space<semaphore_mem>> -> memref<!tpu.dma_semaphore, #tpu.memory_space<semaphore_mem>>
      %dma_start3A_494 = tpu.memref_slice %arg4[%mul3A_482, %mul3A_484] : memref<16384x832xf32, #tpu.memory_space<hbm>> -> memref<128x32xf32, #tpu.memory_space<hbm>>
      %dma_start3A_495 = arith.constant 0 : i32
      %dma_start3A_496 = arith.constant 0 : i32
      %dma_start3A_497 = tpu.memref_slice %arg6[%dma_start3A_485, %dma_start3A_495, %dma_start3A_496] : memref<8x128x32xf32, #tpu.memory_space<vmem>> -> memref<1x128x32xf32, #tpu.memory_space<vmem>>
      %dma_start3A_498 = tpu.memref_squeeze %dma_start3A_497 : memref<1x128x32xf32, #tpu.memory_space<vmem>> -> memref<128x32xf32, #tpu.memory_space<vmem>>
      tpu.enqueue_dma source(%dma_start3A_498 : memref<128x32xf32, #tpu.memory_space<vmem>>) target(%dma_start3A_494 : memref<128x32xf32, #tpu.memory_space<hbm>>) target_semaphore(%dma_start3A_493 : memref<!tpu.dma_semaphore, #tpu.memory_space<semaphore_mem>>)
      %dma_wait3A_499 = arith.constant 5 : i32
      %dma_wait3A_500 = arith.constant 5 : i32
      %dma_wait3A_501 = arith.constant 0 : i32
      %dma_wait3A_502 = arith.constant 0 : i32
      %dma_wait3A_503 = tpu.memref_slice %arg6[%dma_wait3A_499, %dma_wait3A_501, %dma_wait3A_502] : memref<8x128x32xf32, #tpu.memory_space<vmem>> -> memref<1x128x32xf32, #tpu.memory_space<vmem>>
      %dma_wait3A_504 = tpu.memref_squeeze %dma_wait3A_503 : memref<1x128x32xf32, #tpu.memory_space<vmem>> -> memref<128x32xf32, #tpu.memory_space<vmem>>
      %dma_wait3A_505 = arith.constant 0 : i32
      %dma_wait3A_506 = arith.constant 0 : i32
      %dma_wait3A_507 = tpu.memref_slice %arg3[%dma_wait3A_505, %dma_wait3A_506] : memref<2600000x32xf32, #tpu.memory_space<hbm>> -> memref<128x32xf32, #tpu.memory_space<hbm>>
      %dma_wait3A_508 = tpu.memref_slice %arg7[%dma_wait3A_500] : memref<8x!tpu.dma_semaphore, #tpu.memory_space<semaphore_mem>> -> memref<1x!tpu.dma_semaphore, #tpu.memory_space<semaphore_mem>>
      %dma_wait3A_509 = tpu.memref_squeeze %dma_wait3A_508 : memref<1x!tpu.dma_semaphore, #tpu.memory_space<semaphore_mem>> -> memref<!tpu.dma_semaphore, #tpu.memory_space<semaphore_mem>>
      %dma_wait3A_510 = arith.constant 0 : i32
      %dma_wait3A_511 = arith.constant 0 : i32
      %dma_wait3A_512 = tpu.memref_slice %arg6[%dma_wait3A_499, %dma_wait3A_510, %dma_wait3A_511] : memref<8x128x32xf32, #tpu.memory_space<vmem>> -> memref<1x128x32xf32, #tpu.memory_space<vmem>>
      %dma_wait3A_513 = tpu.memref_squeeze %dma_wait3A_512 : memref<1x128x32xf32, #tpu.memory_space<vmem>> -> memref<128x32xf32, #tpu.memory_space<vmem>>
      %dma_wait3A_514 = arith.constant 0 : i32
      %dma_wait3A_515 = arith.constant 0 : i32
      %dma_wait3A_516 = tpu.memref_slice %arg3[%dma_wait3A_514, %dma_wait3A_515] : memref<2600000x32xf32, #tpu.memory_space<hbm>> -> memref<128x32xf32, #tpu.memory_space<hbm>>
      tpu.wait_dma2 semaphore(%dma_wait3A_509 : memref<!tpu.dma_semaphore, #tpu.memory_space<semaphore_mem>>) src(%dma_wait3A_516 : memref<128x32xf32, #tpu.memory_space<hbm>>) dst(%dma_wait3A_513 : memref<128x32xf32, #tpu.memory_space<vmem>>)
      %mul3A_517 = arith.constant 2 : i32
      %mul3A_518 = arith.muli %mul3A_517, %scan3A_214 : i32
      %add3A_519 = arith.constant 1 : i32
      %add3A_520 = arith.addi %mul3A_518, %add3A_519 : i32
      %add3A_521 = arith.constant 1 : i32
      %add3A_522 = arith.addi %mul3A_2, %add3A_521 : i32
      %mul3A_523 = arith.constant 128 : i32
      %mul3A_524 = arith.muli %add3A_522, %mul3A_523 : i32
      %mul3A_525 = arith.constant 32 : i32
      %mul3A_526 = arith.muli %add3A_520, %mul3A_525 : i32
      %dma_start3A_527 = arith.constant 5 : i32
      %dma_start3A_528 = arith.constant 5 : i32
      %dma_start3A_529 = arith.constant 0 : i32
      %dma_start3A_530 = arith.constant 0 : i32
      %dma_start3A_531 = tpu.memref_slice %arg6[%dma_start3A_527, %dma_start3A_529, %dma_start3A_530] : memref<8x128x32xf32, #tpu.memory_space<vmem>> -> memref<1x128x32xf32, #tpu.memory_space<vmem>>
      %dma_start3A_532 = tpu.memref_squeeze %dma_start3A_531 : memref<1x128x32xf32, #tpu.memory_space<vmem>> -> memref<128x32xf32, #tpu.memory_space<vmem>>
      %dma_start3A_533 = tpu.memref_slice %arg4[%mul3A_524, %mul3A_526] : memref<16384x832xf32, #tpu.memory_space<hbm>> -> memref<128x32xf32, #tpu.memory_space<hbm>>
      %dma_start3A_534 = tpu.memref_slice %arg8[%dma_start3A_528] : memref<8x!tpu.dma_semaphore, #tpu.memory_space<semaphore_mem>> -> memref<1x!tpu.dma_semaphore, #tpu.memory_space<semaphore_mem>>
      %dma_start3A_535 = tpu.memref_squeeze %dma_start3A_534 : memref<1x!tpu.dma_semaphore, #tpu.memory_space<semaphore_mem>> -> memref<!tpu.dma_semaphore, #tpu.memory_space<semaphore_mem>>
      %dma_start3A_536 = tpu.memref_slice %arg4[%mul3A_524, %mul3A_526] : memref<16384x832xf32, #tpu.memory_space<hbm>> -> memref<128x32xf32, #tpu.memory_space<hbm>>
      %dma_start3A_537 = arith.constant 0 : i32
      %dma_start3A_538 = arith.constant 0 : i32
      %dma_start3A_539 = tpu.memref_slice %arg6[%dma_start3A_527, %dma_start3A_537, %dma_start3A_538] : memref<8x128x32xf32, #tpu.memory_space<vmem>> -> memref<1x128x32xf32, #tpu.memory_space<vmem>>
      %dma_start3A_540 = tpu.memref_squeeze %dma_start3A_539 : memref<1x128x32xf32, #tpu.memory_space<vmem>> -> memref<128x32xf32, #tpu.memory_space<vmem>>
      tpu.enqueue_dma source(%dma_start3A_540 : memref<128x32xf32, #tpu.memory_space<vmem>>) target(%dma_start3A_536 : memref<128x32xf32, #tpu.memory_space<hbm>>) target_semaphore(%dma_start3A_535 : memref<!tpu.dma_semaphore, #tpu.memory_space<semaphore_mem>>)
      %dma_wait3A_541 = arith.constant 6 : i32
      %dma_wait3A_542 = arith.constant 6 : i32
      %dma_wait3A_543 = arith.constant 0 : i32
      %dma_wait3A_544 = arith.constant 0 : i32
      %dma_wait3A_545 = tpu.memref_slice %arg6[%dma_wait3A_541, %dma_wait3A_543, %dma_wait3A_544] : memref<8x128x32xf32, #tpu.memory_space<vmem>> -> memref<1x128x32xf32, #tpu.memory_space<vmem>>
      %dma_wait3A_546 = tpu.memref_squeeze %dma_wait3A_545 : memref<1x128x32xf32, #tpu.memory_space<vmem>> -> memref<128x32xf32, #tpu.memory_space<vmem>>
      %dma_wait3A_547 = arith.constant 0 : i32
      %dma_wait3A_548 = arith.constant 0 : i32
      %dma_wait3A_549 = tpu.memref_slice %arg3[%dma_wait3A_547, %dma_wait3A_548] : memref<2600000x32xf32, #tpu.memory_space<hbm>> -> memref<128x32xf32, #tpu.memory_space<hbm>>
      %dma_wait3A_550 = tpu.memref_slice %arg7[%dma_wait3A_542] : memref<8x!tpu.dma_semaphore, #tpu.memory_space<semaphore_mem>> -> memref<1x!tpu.dma_semaphore, #tpu.memory_space<semaphore_mem>>
      %dma_wait3A_551 = tpu.memref_squeeze %dma_wait3A_550 : memref<1x!tpu.dma_semaphore, #tpu.memory_space<semaphore_mem>> -> memref<!tpu.dma_semaphore, #tpu.memory_space<semaphore_mem>>
      %dma_wait3A_552 = arith.constant 0 : i32
      %dma_wait3A_553 = arith.constant 0 : i32
      %dma_wait3A_554 = tpu.memref_slice %arg6[%dma_wait3A_541, %dma_wait3A_552, %dma_wait3A_553] : memref<8x128x32xf32, #tpu.memory_space<vmem>> -> memref<1x128x32xf32, #tpu.memory_space<vmem>>
      %dma_wait3A_555 = tpu.memref_squeeze %dma_wait3A_554 : memref<1x128x32xf32, #tpu.memory_space<vmem>> -> memref<128x32xf32, #tpu.memory_space<vmem>>
      %dma_wait3A_556 = arith.constant 0 : i32
      %dma_wait3A_557 = arith.constant 0 : i32
      %dma_wait3A_558 = tpu.memref_slice %arg3[%dma_wait3A_556, %dma_wait3A_557] : memref<2600000x32xf32, #tpu.memory_space<hbm>> -> memref<128x32xf32, #tpu.memory_space<hbm>>
      tpu.wait_dma2 semaphore(%dma_wait3A_551 : memref<!tpu.dma_semaphore, #tpu.memory_space<semaphore_mem>>) src(%dma_wait3A_558 : memref<128x32xf32, #tpu.memory_space<hbm>>) dst(%dma_wait3A_555 : memref<128x32xf32, #tpu.memory_space<vmem>>)
      %mul3A_559 = arith.constant 2 : i32
      %mul3A_560 = arith.muli %mul3A_559, %scan3A_214 : i32
      %add3A_561 = arith.constant 1 : i32
      %add3A_562 = arith.addi %mul3A_560, %add3A_561 : i32
      %add3A_563 = arith.constant 2 : i32
      %add3A_564 = arith.addi %mul3A_2, %add3A_563 : i32
      %mul3A_565 = arith.constant 128 : i32
      %mul3A_566 = arith.muli %add3A_564, %mul3A_565 : i32
      %mul3A_567 = arith.constant 32 : i32
      %mul3A_568 = arith.muli %add3A_562, %mul3A_567 : i32
      %dma_start3A_569 = arith.constant 6 : i32
      %dma_start3A_570 = arith.constant 6 : i32
      %dma_start3A_571 = arith.constant 0 : i32
      %dma_start3A_572 = arith.constant 0 : i32
      %dma_start3A_573 = tpu.memref_slice %arg6[%dma_start3A_569, %dma_start3A_571, %dma_start3A_572] : memref<8x128x32xf32, #tpu.memory_space<vmem>> -> memref<1x128x32xf32, #tpu.memory_space<vmem>>
      %dma_start3A_574 = tpu.memref_squeeze %dma_start3A_573 : memref<1x128x32xf32, #tpu.memory_space<vmem>> -> memref<128x32xf32, #tpu.memory_space<vmem>>
      %dma_start3A_575 = tpu.memref_slice %arg4[%mul3A_566, %mul3A_568] : memref<16384x832xf32, #tpu.memory_space<hbm>> -> memref<128x32xf32, #tpu.memory_space<hbm>>
      %dma_start3A_576 = tpu.memref_slice %arg8[%dma_start3A_570] : memref<8x!tpu.dma_semaphore, #tpu.memory_space<semaphore_mem>> -> memref<1x!tpu.dma_semaphore, #tpu.memory_space<semaphore_mem>>
      %dma_start3A_577 = tpu.memref_squeeze %dma_start3A_576 : memref<1x!tpu.dma_semaphore, #tpu.memory_space<semaphore_mem>> -> memref<!tpu.dma_semaphore, #tpu.memory_space<semaphore_mem>>
      %dma_start3A_578 = tpu.memref_slice %arg4[%mul3A_566, %mul3A_568] : memref<16384x832xf32, #tpu.memory_space<hbm>> -> memref<128x32xf32, #tpu.memory_space<hbm>>
      %dma_start3A_579 = arith.constant 0 : i32
      %dma_start3A_580 = arith.constant 0 : i32
      %dma_start3A_581 = tpu.memref_slice %arg6[%dma_start3A_569, %dma_start3A_579, %dma_start3A_580] : memref<8x128x32xf32, #tpu.memory_space<vmem>> -> memref<1x128x32xf32, #tpu.memory_space<vmem>>
      %dma_start3A_582 = tpu.memref_squeeze %dma_start3A_581 : memref<1x128x32xf32, #tpu.memory_space<vmem>> -> memref<128x32xf32, #tpu.memory_space<vmem>>
      tpu.enqueue_dma source(%dma_start3A_582 : memref<128x32xf32, #tpu.memory_space<vmem>>) target(%dma_start3A_578 : memref<128x32xf32, #tpu.memory_space<hbm>>) target_semaphore(%dma_start3A_577 : memref<!tpu.dma_semaphore, #tpu.memory_space<semaphore_mem>>)
      %dma_wait3A_583 = arith.constant 7 : i32
      %dma_wait3A_584 = arith.constant 7 : i32
      %dma_wait3A_585 = arith.constant 0 : i32
      %dma_wait3A_586 = arith.constant 0 : i32
      %dma_wait3A_587 = tpu.memref_slice %arg6[%dma_wait3A_583, %dma_wait3A_585, %dma_wait3A_586] : memref<8x128x32xf32, #tpu.memory_space<vmem>> -> memref<1x128x32xf32, #tpu.memory_space<vmem>>
      %dma_wait3A_588 = tpu.memref_squeeze %dma_wait3A_587 : memref<1x128x32xf32, #tpu.memory_space<vmem>> -> memref<128x32xf32, #tpu.memory_space<vmem>>
      %dma_wait3A_589 = arith.constant 0 : i32
      %dma_wait3A_590 = arith.constant 0 : i32
      %dma_wait3A_591 = tpu.memref_slice %arg3[%dma_wait3A_589, %dma_wait3A_590] : memref<2600000x32xf32, #tpu.memory_space<hbm>> -> memref<128x32xf32, #tpu.memory_space<hbm>>
      %dma_wait3A_592 = tpu.memref_slice %arg7[%dma_wait3A_584] : memref<8x!tpu.dma_semaphore, #tpu.memory_space<semaphore_mem>> -> memref<1x!tpu.dma_semaphore, #tpu.memory_space<semaphore_mem>>
      %dma_wait3A_593 = tpu.memref_squeeze %dma_wait3A_592 : memref<1x!tpu.dma_semaphore, #tpu.memory_space<semaphore_mem>> -> memref<!tpu.dma_semaphore, #tpu.memory_space<semaphore_mem>>
      %dma_wait3A_594 = arith.constant 0 : i32
      %dma_wait3A_595 = arith.constant 0 : i32
      %dma_wait3A_596 = tpu.memref_slice %arg6[%dma_wait3A_583, %dma_wait3A_594, %dma_wait3A_595] : memref<8x128x32xf32, #tpu.memory_space<vmem>> -> memref<1x128x32xf32, #tpu.memory_space<vmem>>
      %dma_wait3A_597 = tpu.memref_squeeze %dma_wait3A_596 : memref<1x128x32xf32, #tpu.memory_space<vmem>> -> memref<128x32xf32, #tpu.memory_space<vmem>>
      %dma_wait3A_598 = arith.constant 0 : i32
      %dma_wait3A_599 = arith.constant 0 : i32
      %dma_wait3A_600 = tpu.memref_slice %arg3[%dma_wait3A_598, %dma_wait3A_599] : memref<2600000x32xf32, #tpu.memory_space<hbm>> -> memref<128x32xf32, #tpu.memory_space<hbm>>
      tpu.wait_dma2 semaphore(%dma_wait3A_593 : memref<!tpu.dma_semaphore, #tpu.memory_space<semaphore_mem>>) src(%dma_wait3A_600 : memref<128x32xf32, #tpu.memory_space<hbm>>) dst(%dma_wait3A_597 : memref<128x32xf32, #tpu.memory_space<vmem>>)
      %mul3A_601 = arith.constant 2 : i32
      %mul3A_602 = arith.muli %mul3A_601, %scan3A_214 : i32
      %add3A_603 = arith.constant 1 : i32
      %add3A_604 = arith.addi %mul3A_602, %add3A_603 : i32
      %add3A_605 = arith.constant 3 : i32
      %add3A_606 = arith.addi %mul3A_2, %add3A_605 : i32
      %mul3A_607 = arith.constant 128 : i32
      %mul3A_608 = arith.muli %add3A_606, %mul3A_607 : i32
      %mul3A_609 = arith.constant 32 : i32
      %mul3A_610 = arith.muli %add3A_604, %mul3A_609 : i32
      %dma_start3A_611 = arith.constant 7 : i32
      %dma_start3A_612 = arith.constant 7 : i32
      %dma_start3A_613 = arith.constant 0 : i32
      %dma_start3A_614 = arith.constant 0 : i32
      %dma_start3A_615 = tpu.memref_slice %arg6[%dma_start3A_611, %dma_start3A_613, %dma_start3A_614] : memref<8x128x32xf32, #tpu.memory_space<vmem>> -> memref<1x128x32xf32, #tpu.memory_space<vmem>>
      %dma_start3A_616 = tpu.memref_squeeze %dma_start3A_615 : memref<1x128x32xf32, #tpu.memory_space<vmem>> -> memref<128x32xf32, #tpu.memory_space<vmem>>
      %dma_start3A_617 = tpu.memref_slice %arg4[%mul3A_608, %mul3A_610] : memref<16384x832xf32, #tpu.memory_space<hbm>> -> memref<128x32xf32, #tpu.memory_space<hbm>>
      %dma_start3A_618 = tpu.memref_slice %arg8[%dma_start3A_612] : memref<8x!tpu.dma_semaphore, #tpu.memory_space<semaphore_mem>> -> memref<1x!tpu.dma_semaphore, #tpu.memory_space<semaphore_mem>>
      %dma_start3A_619 = tpu.memref_squeeze %dma_start3A_618 : memref<1x!tpu.dma_semaphore, #tpu.memory_space<semaphore_mem>> -> memref<!tpu.dma_semaphore, #tpu.memory_space<semaphore_mem>>
      %dma_start3A_620 = tpu.memref_slice %arg4[%mul3A_608, %mul3A_610] : memref<16384x832xf32, #tpu.memory_space<hbm>> -> memref<128x32xf32, #tpu.memory_space<hbm>>
      %dma_start3A_621 = arith.constant 0 : i32
      %dma_start3A_622 = arith.constant 0 : i32
      %dma_start3A_623 = tpu.memref_slice %arg6[%dma_start3A_611, %dma_start3A_621, %dma_start3A_622] : memref<8x128x32xf32, #tpu.memory_space<vmem>> -> memref<1x128x32xf32, #tpu.memory_space<vmem>>
      %dma_start3A_624 = tpu.memref_squeeze %dma_start3A_623 : memref<1x128x32xf32, #tpu.memory_space<vmem>> -> memref<128x32xf32, #tpu.memory_space<vmem>>
      tpu.enqueue_dma source(%dma_start3A_624 : memref<128x32xf32, #tpu.memory_space<vmem>>) target(%dma_start3A_620 : memref<128x32xf32, #tpu.memory_space<hbm>>) target_semaphore(%dma_start3A_619 : memref<!tpu.dma_semaphore, #tpu.memory_space<semaphore_mem>>)
    }
    %scan3A_70 = arith.constant 13 : i32
    %dma_wait3A = arith.constant 0 : i32
    %dma_wait3A_71 = arith.constant 0 : i32
    %dma_wait3A_72 = arith.constant 0 : i32
    %dma_wait3A_73 = arith.constant 0 : i32
    %dma_wait3A_74 = tpu.memref_slice %arg6[%dma_wait3A, %dma_wait3A_72, %dma_wait3A_73] : memref<8x128x32xf32, #tpu.memory_space<vmem>> -> memref<1x128x32xf32, #tpu.memory_space<vmem>>
    %dma_wait3A_75 = tpu.memref_squeeze %dma_wait3A_74 : memref<1x128x32xf32, #tpu.memory_space<vmem>> -> memref<128x32xf32, #tpu.memory_space<vmem>>
    %dma_wait3A_76 = arith.constant 0 : i32
    %dma_wait3A_77 = arith.constant 0 : i32
    %dma_wait3A_78 = tpu.memref_slice %arg4[%dma_wait3A_76, %dma_wait3A_77] : memref<16384x832xf32, #tpu.memory_space<hbm>> -> memref<128x32xf32, #tpu.memory_space<hbm>>
    %dma_wait3A_79 = tpu.memref_slice %arg8[%dma_wait3A_71] : memref<8x!tpu.dma_semaphore, #tpu.memory_space<semaphore_mem>> -> memref<1x!tpu.dma_semaphore, #tpu.memory_space<semaphore_mem>>
    %dma_wait3A_80 = tpu.memref_squeeze %dma_wait3A_79 : memref<1x!tpu.dma_semaphore, #tpu.memory_space<semaphore_mem>> -> memref<!tpu.dma_semaphore, #tpu.memory_space<semaphore_mem>>
    %dma_wait3A_81 = arith.constant 0 : i32
    %dma_wait3A_82 = arith.constant 0 : i32
    %dma_wait3A_83 = tpu.memref_slice %arg4[%dma_wait3A_81, %dma_wait3A_82] : memref<16384x832xf32, #tpu.memory_space<hbm>> -> memref<128x32xf32, #tpu.memory_space<hbm>>
    %dma_wait3A_84 = arith.constant 0 : i32
    %dma_wait3A_85 = arith.constant 0 : i32
    %dma_wait3A_86 = tpu.memref_slice %arg6[%dma_wait3A, %dma_wait3A_84, %dma_wait3A_85] : memref<8x128x32xf32, #tpu.memory_space<vmem>> -> memref<1x128x32xf32, #tpu.memory_space<vmem>>
    %dma_wait3A_87 = tpu.memref_squeeze %dma_wait3A_86 : memref<1x128x32xf32, #tpu.memory_space<vmem>> -> memref<128x32xf32, #tpu.memory_space<vmem>>
    tpu.wait_dma2 semaphore(%dma_wait3A_80 : memref<!tpu.dma_semaphore, #tpu.memory_space<semaphore_mem>>) src(%dma_wait3A_87 : memref<128x32xf32, #tpu.memory_space<vmem>>) dst(%dma_wait3A_83 : memref<128x32xf32, #tpu.memory_space<hbm>>)
    %dma_wait3A_88 = arith.constant 1 : i32
    %dma_wait3A_89 = arith.constant 1 : i32
    %dma_wait3A_90 = arith.constant 0 : i32
    %dma_wait3A_91 = arith.constant 0 : i32
    %dma_wait3A_92 = tpu.memref_slice %arg6[%dma_wait3A_88, %dma_wait3A_90, %dma_wait3A_91] : memref<8x128x32xf32, #tpu.memory_space<vmem>> -> memref<1x128x32xf32, #tpu.memory_space<vmem>>
    %dma_wait3A_93 = tpu.memref_squeeze %dma_wait3A_92 : memref<1x128x32xf32, #tpu.memory_space<vmem>> -> memref<128x32xf32, #tpu.memory_space<vmem>>
    %dma_wait3A_94 = arith.constant 0 : i32
    %dma_wait3A_95 = arith.constant 0 : i32
    %dma_wait3A_96 = tpu.memref_slice %arg4[%dma_wait3A_94, %dma_wait3A_95] : memref<16384x832xf32, #tpu.memory_space<hbm>> -> memref<128x32xf32, #tpu.memory_space<hbm>>
    %dma_wait3A_97 = tpu.memref_slice %arg8[%dma_wait3A_89] : memref<8x!tpu.dma_semaphore, #tpu.memory_space<semaphore_mem>> -> memref<1x!tpu.dma_semaphore, #tpu.memory_space<semaphore_mem>>
    %dma_wait3A_98 = tpu.memref_squeeze %dma_wait3A_97 : memref<1x!tpu.dma_semaphore, #tpu.memory_space<semaphore_mem>> -> memref<!tpu.dma_semaphore, #tpu.memory_space<semaphore_mem>>
    %dma_wait3A_99 = arith.constant 0 : i32
    %dma_wait3A_100 = arith.constant 0 : i32
    %dma_wait3A_101 = tpu.memref_slice %arg4[%dma_wait3A_99, %dma_wait3A_100] : memref<16384x832xf32, #tpu.memory_space<hbm>> -> memref<128x32xf32, #tpu.memory_space<hbm>>
    %dma_wait3A_102 = arith.constant 0 : i32
    %dma_wait3A_103 = arith.constant 0 : i32
    %dma_wait3A_104 = tpu.memref_slice %arg6[%dma_wait3A_88, %dma_wait3A_102, %dma_wait3A_103] : memref<8x128x32xf32, #tpu.memory_space<vmem>> -> memref<1x128x32xf32, #tpu.memory_space<vmem>>
    %dma_wait3A_105 = tpu.memref_squeeze %dma_wait3A_104 : memref<1x128x32xf32, #tpu.memory_space<vmem>> -> memref<128x32xf32, #tpu.memory_space<vmem>>
    tpu.wait_dma2 semaphore(%dma_wait3A_98 : memref<!tpu.dma_semaphore, #tpu.memory_space<semaphore_mem>>) src(%dma_wait3A_105 : memref<128x32xf32, #tpu.memory_space<vmem>>) dst(%dma_wait3A_101 : memref<128x32xf32, #tpu.memory_space<hbm>>)
    %dma_wait3A_106 = arith.constant 2 : i32
    %dma_wait3A_107 = arith.constant 2 : i32
    %dma_wait3A_108 = arith.constant 0 : i32
    %dma_wait3A_109 = arith.constant 0 : i32
    %dma_wait3A_110 = tpu.memref_slice %arg6[%dma_wait3A_106, %dma_wait3A_108, %dma_wait3A_109] : memref<8x128x32xf32, #tpu.memory_space<vmem>> -> memref<1x128x32xf32, #tpu.memory_space<vmem>>
    %dma_wait3A_111 = tpu.memref_squeeze %dma_wait3A_110 : memref<1x128x32xf32, #tpu.memory_space<vmem>> -> memref<128x32xf32, #tpu.memory_space<vmem>>
    %dma_wait3A_112 = arith.constant 0 : i32
    %dma_wait3A_113 = arith.constant 0 : i32
    %dma_wait3A_114 = tpu.memref_slice %arg4[%dma_wait3A_112, %dma_wait3A_113] : memref<16384x832xf32, #tpu.memory_space<hbm>> -> memref<128x32xf32, #tpu.memory_space<hbm>>
    %dma_wait3A_115 = tpu.memref_slice %arg8[%dma_wait3A_107] : memref<8x!tpu.dma_semaphore, #tpu.memory_space<semaphore_mem>> -> memref<1x!tpu.dma_semaphore, #tpu.memory_space<semaphore_mem>>
    %dma_wait3A_116 = tpu.memref_squeeze %dma_wait3A_115 : memref<1x!tpu.dma_semaphore, #tpu.memory_space<semaphore_mem>> -> memref<!tpu.dma_semaphore, #tpu.memory_space<semaphore_mem>>
    %dma_wait3A_117 = arith.constant 0 : i32
    %dma_wait3A_118 = arith.constant 0 : i32
    %dma_wait3A_119 = tpu.memref_slice %arg4[%dma_wait3A_117, %dma_wait3A_118] : memref<16384x832xf32, #tpu.memory_space<hbm>> -> memref<128x32xf32, #tpu.memory_space<hbm>>
    %dma_wait3A_120 = arith.constant 0 : i32
    %dma_wait3A_121 = arith.constant 0 : i32
    %dma_wait3A_122 = tpu.memref_slice %arg6[%dma_wait3A_106, %dma_wait3A_120, %dma_wait3A_121] : memref<8x128x32xf32, #tpu.memory_space<vmem>> -> memref<1x128x32xf32, #tpu.memory_space<vmem>>
    %dma_wait3A_123 = tpu.memref_squeeze %dma_wait3A_122 : memref<1x128x32xf32, #tpu.memory_space<vmem>> -> memref<128x32xf32, #tpu.memory_space<vmem>>
    tpu.wait_dma2 semaphore(%dma_wait3A_116 : memref<!tpu.dma_semaphore, #tpu.memory_space<semaphore_mem>>) src(%dma_wait3A_123 : memref<128x32xf32, #tpu.memory_space<vmem>>) dst(%dma_wait3A_119 : memref<128x32xf32, #tpu.memory_space<hbm>>)
    %dma_wait3A_124 = arith.constant 3 : i32
    %dma_wait3A_125 = arith.constant 3 : i32
    %dma_wait3A_126 = arith.constant 0 : i32
    %dma_wait3A_127 = arith.constant 0 : i32
    %dma_wait3A_128 = tpu.memref_slice %arg6[%dma_wait3A_124, %dma_wait3A_126, %dma_wait3A_127] : memref<8x128x32xf32, #tpu.memory_space<vmem>> -> memref<1x128x32xf32, #tpu.memory_space<vmem>>
    %dma_wait3A_129 = tpu.memref_squeeze %dma_wait3A_128 : memref<1x128x32xf32, #tpu.memory_space<vmem>> -> memref<128x32xf32, #tpu.memory_space<vmem>>
    %dma_wait3A_130 = arith.constant 0 : i32
    %dma_wait3A_131 = arith.constant 0 : i32
    %dma_wait3A_132 = tpu.memref_slice %arg4[%dma_wait3A_130, %dma_wait3A_131] : memref<16384x832xf32, #tpu.memory_space<hbm>> -> memref<128x32xf32, #tpu.memory_space<hbm>>
    %dma_wait3A_133 = tpu.memref_slice %arg8[%dma_wait3A_125] : memref<8x!tpu.dma_semaphore, #tpu.memory_space<semaphore_mem>> -> memref<1x!tpu.dma_semaphore, #tpu.memory_space<semaphore_mem>>
    %dma_wait3A_134 = tpu.memref_squeeze %dma_wait3A_133 : memref<1x!tpu.dma_semaphore, #tpu.memory_space<semaphore_mem>> -> memref<!tpu.dma_semaphore, #tpu.memory_space<semaphore_mem>>
    %dma_wait3A_135 = arith.constant 0 : i32
    %dma_wait3A_136 = arith.constant 0 : i32
    %dma_wait3A_137 = tpu.memref_slice %arg4[%dma_wait3A_135, %dma_wait3A_136] : memref<16384x832xf32, #tpu.memory_space<hbm>> -> memref<128x32xf32, #tpu.memory_space<hbm>>
    %dma_wait3A_138 = arith.constant 0 : i32
    %dma_wait3A_139 = arith.constant 0 : i32
    %dma_wait3A_140 = tpu.memref_slice %arg6[%dma_wait3A_124, %dma_wait3A_138, %dma_wait3A_139] : memref<8x128x32xf32, #tpu.memory_space<vmem>> -> memref<1x128x32xf32, #tpu.memory_space<vmem>>
    %dma_wait3A_141 = tpu.memref_squeeze %dma_wait3A_140 : memref<1x128x32xf32, #tpu.memory_space<vmem>> -> memref<128x32xf32, #tpu.memory_space<vmem>>
    tpu.wait_dma2 semaphore(%dma_wait3A_134 : memref<!tpu.dma_semaphore, #tpu.memory_space<semaphore_mem>>) src(%dma_wait3A_141 : memref<128x32xf32, #tpu.memory_space<vmem>>) dst(%dma_wait3A_137 : memref<128x32xf32, #tpu.memory_space<hbm>>)
    %dma_wait3A_142 = arith.constant 4 : i32
    %dma_wait3A_143 = arith.constant 4 : i32
    %dma_wait3A_144 = arith.constant 0 : i32
    %dma_wait3A_145 = arith.constant 0 : i32
    %dma_wait3A_146 = tpu.memref_slice %arg6[%dma_wait3A_142, %dma_wait3A_144, %dma_wait3A_145] : memref<8x128x32xf32, #tpu.memory_space<vmem>> -> memref<1x128x32xf32, #tpu.memory_space<vmem>>
    %dma_wait3A_147 = tpu.memref_squeeze %dma_wait3A_146 : memref<1x128x32xf32, #tpu.memory_space<vmem>> -> memref<128x32xf32, #tpu.memory_space<vmem>>
    %dma_wait3A_148 = arith.constant 0 : i32
    %dma_wait3A_149 = arith.constant 0 : i32
    %dma_wait3A_150 = tpu.memref_slice %arg4[%dma_wait3A_148, %dma_wait3A_149] : memref<16384x832xf32, #tpu.memory_space<hbm>> -> memref<128x32xf32, #tpu.memory_space<hbm>>
    %dma_wait3A_151 = tpu.memref_slice %arg8[%dma_wait3A_143] : memref<8x!tpu.dma_semaphore, #tpu.memory_space<semaphore_mem>> -> memref<1x!tpu.dma_semaphore, #tpu.memory_space<semaphore_mem>>
    %dma_wait3A_152 = tpu.memref_squeeze %dma_wait3A_151 : memref<1x!tpu.dma_semaphore, #tpu.memory_space<semaphore_mem>> -> memref<!tpu.dma_semaphore, #tpu.memory_space<semaphore_mem>>
    %dma_wait3A_153 = arith.constant 0 : i32
    %dma_wait3A_154 = arith.constant 0 : i32
    %dma_wait3A_155 = tpu.memref_slice %arg4[%dma_wait3A_153, %dma_wait3A_154] : memref<16384x832xf32, #tpu.memory_space<hbm>> -> memref<128x32xf32, #tpu.memory_space<hbm>>
    %dma_wait3A_156 = arith.constant 0 : i32
    %dma_wait3A_157 = arith.constant 0 : i32
    %dma_wait3A_158 = tpu.memref_slice %arg6[%dma_wait3A_142, %dma_wait3A_156, %dma_wait3A_157] : memref<8x128x32xf32, #tpu.memory_space<vmem>> -> memref<1x128x32xf32, #tpu.memory_space<vmem>>
    %dma_wait3A_159 = tpu.memref_squeeze %dma_wait3A_158 : memref<1x128x32xf32, #tpu.memory_space<vmem>> -> memref<128x32xf32, #tpu.memory_space<vmem>>
    tpu.wait_dma2 semaphore(%dma_wait3A_152 : memref<!tpu.dma_semaphore, #tpu.memory_space<semaphore_mem>>) src(%dma_wait3A_159 : memref<128x32xf32, #tpu.memory_space<vmem>>) dst(%dma_wait3A_155 : memref<128x32xf32, #tpu.memory_space<hbm>>)
    %dma_wait3A_160 = arith.constant 5 : i32
    %dma_wait3A_161 = arith.constant 5 : i32
    %dma_wait3A_162 = arith.constant 0 : i32
    %dma_wait3A_163 = arith.constant 0 : i32
    %dma_wait3A_164 = tpu.memref_slice %arg6[%dma_wait3A_160, %dma_wait3A_162, %dma_wait3A_163] : memref<8x128x32xf32, #tpu.memory_space<vmem>> -> memref<1x128x32xf32, #tpu.memory_space<vmem>>
    %dma_wait3A_165 = tpu.memref_squeeze %dma_wait3A_164 : memref<1x128x32xf32, #tpu.memory_space<vmem>> -> memref<128x32xf32, #tpu.memory_space<vmem>>
    %dma_wait3A_166 = arith.constant 0 : i32
    %dma_wait3A_167 = arith.constant 0 : i32
    %dma_wait3A_168 = tpu.memref_slice %arg4[%dma_wait3A_166, %dma_wait3A_167] : memref<16384x832xf32, #tpu.memory_space<hbm>> -> memref<128x32xf32, #tpu.memory_space<hbm>>
    %dma_wait3A_169 = tpu.memref_slice %arg8[%dma_wait3A_161] : memref<8x!tpu.dma_semaphore, #tpu.memory_space<semaphore_mem>> -> memref<1x!tpu.dma_semaphore, #tpu.memory_space<semaphore_mem>>
    %dma_wait3A_170 = tpu.memref_squeeze %dma_wait3A_169 : memref<1x!tpu.dma_semaphore, #tpu.memory_space<semaphore_mem>> -> memref<!tpu.dma_semaphore, #tpu.memory_space<semaphore_mem>>
    %dma_wait3A_171 = arith.constant 0 : i32
    %dma_wait3A_172 = arith.constant 0 : i32
    %dma_wait3A_173 = tpu.memref_slice %arg4[%dma_wait3A_171, %dma_wait3A_172] : memref<16384x832xf32, #tpu.memory_space<hbm>> -> memref<128x32xf32, #tpu.memory_space<hbm>>
    %dma_wait3A_174 = arith.constant 0 : i32
    %dma_wait3A_175 = arith.constant 0 : i32
    %dma_wait3A_176 = tpu.memref_slice %arg6[%dma_wait3A_160, %dma_wait3A_174, %dma_wait3A_175] : memref<8x128x32xf32, #tpu.memory_space<vmem>> -> memref<1x128x32xf32, #tpu.memory_space<vmem>>
    %dma_wait3A_177 = tpu.memref_squeeze %dma_wait3A_176 : memref<1x128x32xf32, #tpu.memory_space<vmem>> -> memref<128x32xf32, #tpu.memory_space<vmem>>
    tpu.wait_dma2 semaphore(%dma_wait3A_170 : memref<!tpu.dma_semaphore, #tpu.memory_space<semaphore_mem>>) src(%dma_wait3A_177 : memref<128x32xf32, #tpu.memory_space<vmem>>) dst(%dma_wait3A_173 : memref<128x32xf32, #tpu.memory_space<hbm>>)
    %dma_wait3A_178 = arith.constant 6 : i32
    %dma_wait3A_179 = arith.constant 6 : i32
    %dma_wait3A_180 = arith.constant 0 : i32
    %dma_wait3A_181 = arith.constant 0 : i32
    %dma_wait3A_182 = tpu.memref_slice %arg6[%dma_wait3A_178, %dma_wait3A_180, %dma_wait3A_181] : memref<8x128x32xf32, #tpu.memory_space<vmem>> -> memref<1x128x32xf32, #tpu.memory_space<vmem>>
    %dma_wait3A_183 = tpu.memref_squeeze %dma_wait3A_182 : memref<1x128x32xf32, #tpu.memory_space<vmem>> -> memref<128x32xf32, #tpu.memory_space<vmem>>
    %dma_wait3A_184 = arith.constant 0 : i32
    %dma_wait3A_185 = arith.constant 0 : i32
    %dma_wait3A_186 = tpu.memref_slice %arg4[%dma_wait3A_184, %dma_wait3A_185] : memref<16384x832xf32, #tpu.memory_space<hbm>> -> memref<128x32xf32, #tpu.memory_space<hbm>>
    %dma_wait3A_187 = tpu.memref_slice %arg8[%dma_wait3A_179] : memref<8x!tpu.dma_semaphore, #tpu.memory_space<semaphore_mem>> -> memref<1x!tpu.dma_semaphore, #tpu.memory_space<semaphore_mem>>
    %dma_wait3A_188 = tpu.memref_squeeze %dma_wait3A_187 : memref<1x!tpu.dma_semaphore, #tpu.memory_space<semaphore_mem>> -> memref<!tpu.dma_semaphore, #tpu.memory_space<semaphore_mem>>
    %dma_wait3A_189 = arith.constant 0 : i32
    %dma_wait3A_190 = arith.constant 0 : i32
    %dma_wait3A_191 = tpu.memref_slice %arg4[%dma_wait3A_189, %dma_wait3A_190] : memref<16384x832xf32, #tpu.memory_space<hbm>> -> memref<128x32xf32, #tpu.memory_space<hbm>>
    %dma_wait3A_192 = arith.constant 0 : i32
    %dma_wait3A_193 = arith.constant 0 : i32
    %dma_wait3A_194 = tpu.memref_slice %arg6[%dma_wait3A_178, %dma_wait3A_192, %dma_wait3A_193] : memref<8x128x32xf32, #tpu.memory_space<vmem>> -> memref<1x128x32xf32, #tpu.memory_space<vmem>>
    %dma_wait3A_195 = tpu.memref_squeeze %dma_wait3A_194 : memref<1x128x32xf32, #tpu.memory_space<vmem>> -> memref<128x32xf32, #tpu.memory_space<vmem>>
    tpu.wait_dma2 semaphore(%dma_wait3A_188 : memref<!tpu.dma_semaphore, #tpu.memory_space<semaphore_mem>>) src(%dma_wait3A_195 : memref<128x32xf32, #tpu.memory_space<vmem>>) dst(%dma_wait3A_191 : memref<128x32xf32, #tpu.memory_space<hbm>>)
    %dma_wait3A_196 = arith.constant 7 : i32
    %dma_wait3A_197 = arith.constant 7 : i32
    %dma_wait3A_198 = arith.constant 0 : i32
    %dma_wait3A_199 = arith.constant 0 : i32
    %dma_wait3A_200 = tpu.memref_slice %arg6[%dma_wait3A_196, %dma_wait3A_198, %dma_wait3A_199] : memref<8x128x32xf32, #tpu.memory_space<vmem>> -> memref<1x128x32xf32, #tpu.memory_space<vmem>>
    %dma_wait3A_201 = tpu.memref_squeeze %dma_wait3A_200 : memref<1x128x32xf32, #tpu.memory_space<vmem>> -> memref<128x32xf32, #tpu.memory_space<vmem>>
    %dma_wait3A_202 = arith.constant 0 : i32
    %dma_wait3A_203 = arith.constant 0 : i32
    %dma_wait3A_204 = tpu.memref_slice %arg4[%dma_wait3A_202, %dma_wait3A_203] : memref<16384x832xf32, #tpu.memory_space<hbm>> -> memref<128x32xf32, #tpu.memory_space<hbm>>
    %dma_wait3A_205 = tpu.memref_slice %arg8[%dma_wait3A_197] : memref<8x!tpu.dma_semaphore, #tpu.memory_space<semaphore_mem>> -> memref<1x!tpu.dma_semaphore, #tpu.memory_space<semaphore_mem>>
    %dma_wait3A_206 = tpu.memref_squeeze %dma_wait3A_205 : memref<1x!tpu.dma_semaphore, #tpu.memory_space<semaphore_mem>> -> memref<!tpu.dma_semaphore, #tpu.memory_space<semaphore_mem>>
    %dma_wait3A_207 = arith.constant 0 : i32
    %dma_wait3A_208 = arith.constant 0 : i32
    %dma_wait3A_209 = tpu.memref_slice %arg4[%dma_wait3A_207, %dma_wait3A_208] : memref<16384x832xf32, #tpu.memory_space<hbm>> -> memref<128x32xf32, #tpu.memory_space<hbm>>
    %dma_wait3A_210 = arith.constant 0 : i32
    %dma_wait3A_211 = arith.constant 0 : i32
    %dma_wait3A_212 = tpu.memref_slice %arg6[%dma_wait3A_196, %dma_wait3A_210, %dma_wait3A_211] : memref<8x128x32xf32, #tpu.memory_space<vmem>> -> memref<1x128x32xf32, #tpu.memory_space<vmem>>
    %dma_wait3A_213 = tpu.memref_squeeze %dma_wait3A_212 : memref<1x128x32xf32, #tpu.memory_space<vmem>> -> memref<128x32xf32, #tpu.memory_space<vmem>>
    tpu.wait_dma2 semaphore(%dma_wait3A_206 : memref<!tpu.dma_semaphore, #tpu.memory_space<semaphore_mem>>) src(%dma_wait3A_213 : memref<128x32xf32, #tpu.memory_space<vmem>>) dst(%dma_wait3A_209 : memref<128x32xf32, #tpu.memory_space<hbm>>)
    return
  }
}

</mosaic_0001>

<sc_bundles>
// kernel: kernel.3.cloned.1.call-start
scs
__scs_entry_jumppad:
0x0: {  	(pc) =	sbr.rel $0x88, $3  }
0x1: {  	(tag) =	ssettag $0x0;
	lr =	simm.s32 $0x1  }
0x2: {  	[smem:$0x3F9F] =	sst lr;
	_ =	strace $0xD0000000  }
0x3: {  	_ = 	snop  }
0x4: {  	_ = 	snop  }
0x5: {  	_ = 	snop  }
0x6: {  	_ = 	snop  }
0x7: {  	_ = 	snop  }
__scs_overlays_trampoline_lowered:
0x8: {  	[smem:$0x3FAE] =	sst s0  }
0x9: {  	[smem:$0x3FAF] =	sst s1  }
0xa: {  	[smem:$0x3FB0] =	sst s2  }
0xb: {  	[smem:$0x3FB1] =	sst s3  }
0xc: {  	[smem:$0x3FB2] =	sst s4  }
0xd: {  	[smem:$0x3FB3] =	sst s5  }
0xe: {  	[smem:$0x3FB4] =	sst s6  }
0xf: {  	[smem:$0x3FB5] =	sst s7  }
0x10: {  	[smem:$0x3FB6] =	sst s8  }
0x11: {  	[smem:$0x3FB7] =	sst s9;
	s0 =	simm.s32 @!p0 $0x0  }
0x12: {  	s1 =	sld [smem:$0x3F9D];
	s0 =	simm.s32 @p0 $0x1  }
0x13: {  	[smem:$0x3FB8] =	sst s0;
	s0 =	simm.s32 @!p1 $0x0  }
0x14: {  	s2 =	sld [smem:$0x3F9C];
	s0 =	simm.s32 @p1 $0x1  }
0x15: {  	[smem:$0x3FB9] =	sst s0;
	s0 =	simm.s32 @!p2 $0x0  }
0x16: {  	s3 =	sld [smem:$0x3FDB];
	s0 =	simm.s32 @p2 $0x1  }
0x17: {  	s4 =	simm.s32 $0x1BF5;
	[smem:$0x3FBB] =	sst s0  }
0x18: {  	s0 =	sld [smem:$0x3F9E];
	_ =	swait.ge [sflag:s4], $0x0  }
0x19: {  	s7 =	sld [smem:$0x3F9F]  }
0x1a: {  	s8 =	sadd.s32 $0xFFFFE003, lr  }
0x1b: {  	s9 =	sadd.s32 $0xFFFFFEF7, lr;
	s5 =	simm.s32 $0xFFFFFFFF;
	p2 =	slt.u32 s8, $0xFFFFF086  }
0x1c: {  	p1 =	slt.u32 s9, $0xF7A;
	s5 =	simm.s32 @!p2 $0x0  }
0x1d: {  	s5 =	simm.s32 @p1 $0x1;
	p0 =	seq.s32 s7, s2  }
0x1e: {  	s7 =	smul.u32 @!p0 $0xF7A, s2;
	p2 =	seq.s32 @!p0 s5, $0x0  }
0x1f: {  	s9 =	smul.u32 $0xF7A, s1;
	s8 =	simm.s32 @!p0 $0x1BF5;
	p2 =	por !p2, p0  }
0x20: {  	[sflag:s8] =	ssyncset.s32 @!p0 $0xFFFFF086;
	s6 =	sadd.s32 @!p0 s3, s7;
	s7 =	simm.s32 @!p0 $0x108  }
0x21: {  	s3 =	sadd.s32 s3, s9;
	s6 =	sadd.s32 @!p0 $0x88, s6;
	s7 =	simm.s32 @p2 $0x1082  }
0x22: {  	[simem:s7], [sflag:s8] =	dma.local @!p0 [hbm:s6], $0xF7A  }
0x23: {  	s9 =	sor.u32 $0xD0000000, s2;
	s6 =	simm.s32 $0x108;
	_ =	swait.ge @!p0 [sflag:s8], $0x0  }
0x24: {  	s3 =	sadd.s32 $0x88, s3;
	s6 =	simm.s32 @!p1 $0x1082;
	[sflag:s4] =	ssyncset.s32 $0xFFFFF086  }
0x25: {  	[simem:s6], [sflag:s4] =	dma.local [hbm:s3], $0xF7A  }
0x26: {  	[smem:$0x3F9F] =	sst s1;
	(tag) =	ssettag s2;
	_ =	strace s9  }
0x27: {  	s1 =	sld [smem:$0x3FAF]  }
0x28: {  	s2 =	sld [smem:$0x3FB0]  }
0x29: {  	s4 =	sld [smem:$0x3FB2]  }
0x2a: {  	p0 =	seq.s32 s5, $0x0;
	s5 =	sld [smem:$0x3FB3]  }
0x2b: {  	s6 =	sld [smem:$0x3FB4]  }
0x2c: {  	s7 =	sld [smem:$0x3FB5]  }
0x2d: {  	s3 =	simm.s32 $0x108;
	s8 =	sld [smem:$0x3FB6]  }
0x2e: {  	s3 =	simm.s32 @!p0 $0x1082;
	s9 =	sld [smem:$0x3FB7]  }
0x2f: {  	lr =	sadd.s32 s0, s3;
	s0 =	sld [smem:$0x3FAE]  }
0x30: {  	s3 =	sld [smem:$0x3FB1]  }
0x31: {  	[smem:$0x3FBA] =	sst s10  }
0x32: {  	s10 =	sld [smem:$0x3FB8];
	_ =	sdelay $0x3  }
0x33: {  	p0 =	seq.s32 s10, $0x1;
	s10 =	sld [smem:$0x3FBA];
	_ =	sdelay $0x3  }
0x34: {  	[smem:$0x3FBA] =	sst s10  }
0x35: {  	s10 =	sld [smem:$0x3FB9];
	_ =	sdelay $0x3  }
0x36: {  	p1 =	seq.s32 s10, $0x1;
	s10 =	sld [smem:$0x3FBA];
	_ =	sdelay $0x3  }
0x37: {  	[smem:$0x3FBA] =	sst s10  }
0x38: {  	s10 =	sld [smem:$0x3FBB]  }
0x39: {  	_ = 	snop;
	(pc) =	sbr.ind lr, $3  }
0x3a: {  	_ = 	snop  }
0x3b: {  	_ = 	snop  }
0x3c: {  	p2 =	seq.s32 s10, $0x1;
	s10 =	sld [smem:$0x3FBA]  }
0x3d: {  	_ =	shalt  }
0x3e: {  	_ =	shalt  }
0x3f: {  	_ =	shalt  }
0x40: {  	_ =	shalt  }
0x41: {  	_ =	shalt  }
0x42: {  	_ =	shalt  }
0x43: {  	_ =	shalt  }
0x44: {  	_ =	shalt  }
0x45: {  	_ =	shalt  }
0x46: {  	_ =	shalt  }
0x47: {  	_ =	shalt  }
0x48: {  	_ =	shalt  }
0x49: {  	_ =	shalt  }
0x4a: {  	_ =	shalt  }
0x4b: {  	_ =	shalt  }
0x4c: {  	_ =	shalt  }
0x4d: {  	_ =	shalt  }
0x4e: {  	_ =	shalt  }
0x4f: {  	_ =	shalt  }
0x50: {  	_ =	shalt  }
0x51: {  	_ =	shalt  }
0x52: {  	_ =	shalt  }
0x53: {  	_ =	shalt  }
0x54: {  	_ =	shalt  }
0x55: {  	_ =	shalt  }
0x56: {  	_ =	shalt  }
0x57: {  	_ =	shalt  }
0x58: {  	_ =	shalt  }
0x59: {  	_ =	shalt  }
0x5a: {  	_ =	shalt  }
0x5b: {  	_ =	shalt  }
0x5c: {  	_ =	shalt  }
0x5d: {  	_ =	shalt  }
0x5e: {  	_ =	shalt  }
0x5f: {  	_ =	shalt  }
0x60: {  	_ =	shalt  }
0x61: {  	_ =	shalt  }
0x62: {  	_ =	shalt  }
0x63: {  	_ =	shalt  }
0x64: {  	_ =	shalt  }
0x65: {  	_ =	shalt  }
0x66: {  	_ =	shalt  }
0x67: {  	_ =	shalt  }
0x68: {  	_ =	shalt  }
0x69: {  	_ =	shalt  }
0x6a: {  	_ =	shalt  }
0x6b: {  	_ =	shalt  }
0x6c: {  	_ =	shalt  }
0x6d: {  	_ =	shalt  }
0x6e: {  	_ =	shalt  }
0x6f: {  	_ =	shalt  }
0x70: {  	_ =	shalt  }
0x71: {  	_ =	shalt  }
0x72: {  	_ =	shalt  }
0x73: {  	_ =	shalt  }
0x74: {  	_ =	shalt  }
0x75: {  	_ =	shalt  }
0x76: {  	_ =	shalt  }
0x77: {  	_ =	shalt  }
0x78: {  	_ =	shalt  }
0x79: {  	_ =	shalt  }
0x7a: {  	_ =	shalt  }
0x7b: {  	_ =	shalt  }
0x7c: {  	_ =	shalt  }
0x7d: {  	_ =	shalt  }
0x7e: {  	_ =	shalt  }
0x7f: {  	_ =	shalt  }
0x80: {  	_ =	shalt  }
0x81: {  	_ =	shalt  }
0x82: {  	_ =	shalt  }
0x83: {  	_ =	shalt  }
0x84: {  	_ =	shalt  }
0x85: {  	_ =	shalt  }
0x86: {  	_ =	shalt  }
0x87: {  	_ =	shalt  }
.Lfunc_end0:
.L_simem_size_0:
called_computation.1_lowered:
.L_overlay_start_0:
0x88: {  	s2 =	sld [smem:$0x3FD9]  }
0x89: {  	s3 =	sld [smem:$0x3FFE];
	_ =	sdelay $0x1  }
0x8a: {  	s1 =	srdreg.scid  }
0x8b: {  	s0 =	sand.u32 $0x1, s1  }
0x8c: {  	s17 =	sshll.u32 s0, $0xA;
	s2 =	sadd.s32 s3, s2  }
0x8d: {  	s2 =	sadd.s32 s2, s17  }
0x8e: {  	[smem:$0x3FC6] =	sst s2  }
0x8f: {  	_ = 	snop  }
0x90: {  	s2 =	sld [smem:$0x3FD0];
	(tm) =	ssettm $0x1  }
0x91: {  	s18 =	sld [smem:$0x3FFB];
	_ =	sdelay $0x3  }
0x92: {  	_ =	strace s18  }
0x93: {  	s3 =	sld [smem:$0x3FFC];
	_ =	sdelay $0x3  }
0x94: {  	_ =	strace s3  }
0x95: {  	s3 =	sld [smem:$0x3FFD];
	_ =	sdelay $0x3  }
0x96: {  	_ =	strace s3  }
0x97: {  	_ =	strace $0x8FFFFFFF  }
0x98: {  	s19 =	sld [smem:$0x3FDB];
	_ =	sdelay $0x1  }
0x99: {  	s4 =	simm.s32 $_scs_section_size  }
0x9a: {  	s5 =	simm.s32 $_size__tile_overlayer_lowered;
	s6 =	simm.s32 $_tile_overlayer_lowered  }
0x9b: {  	s22 =	simm.s32 $0x1BFF;
	s21 =	sshll.u32 s6, $0x1;
	s3 =	sadd.s32 s4, s19  }
0x9c: {  	s7 =	simm.s32 $0x0;
	s20 =	sshll.u32 s5, $0x1;
	s5 =	sadd.s32 s21, s3  }
0x9d: {  	[timem:s7], [sflag:s22] =	dma.local [hbm:s5], s20  }
0x9e: {  	_ =	swait.ge [sflag:s22], s20  }
0x9f: {  	s4 =	ssub.s32 $0x0, s20;
	[sflag:s22] =	ssyncset.done $0x0  }
0xa0: {  	[sflag:s22] =	ssyncadd.s32 s4;
	_ =	sdelay $0x1  }
0xa1: {  	s23 =	simm.s32 $0x1B8B  }
0xa2: {  	_ =	swait.ge [sflag:s23], $0x1  }
0xa3: {  	[sflag:s23] =	ssyncset.done $0x0  }
0xa4: {  	s25 =	simm.s32 $0x1B8E;
	s24 =	sld [smem:$0x3FFE];
	[sflag:s23] =	ssyncadd.s32 $0xFFFFFFFF  }
0xa5: {  	s26 =	simm.s32 $execute0_lowered;
	[smem:$0x3FD2] =	sst s25  }
0xa6: {  	s5 =	sshll.u32 s26, $0x1;
	_ =	strace $0x80000046;
	[dreg:$0x1] =	wrdreg $0xFFFFFFFF  }
0xa7: {  	s28 =	simm.s32 $_size_execute0_lowered;
	s3 =	sadd.s32 s3, s5;
	[dreg:$0x0] =	wrdreg $0x0  }
0xa8: {  	s5 =	sshll.u32 s28, $0x1;
	[dreg:$0x2] =	wrdreg s3  }
0xa9: {  	[dreg:$0x3] =	wrdreg s5  }
0xaa: {  	[dreg:$0x4] =	wrdreg $0xC0  }
0xab: {  	_ =	task [dreg:s7], $0x5FFFF  }
0xac: {  	[dreg:$0x1] =	wrdreg $0xFFFFFFFF  }
0xad: {  	[dreg:$0x0] =	wrdreg $0x60  }
0xae: {  	[dreg:$0x2] =	wrdreg s24  }
0xaf: {  	[dreg:$0x3] =	wrdreg s2  }
0xb0: {  	[dreg:$0x4] =	wrdreg $0x9  }
0xb1: {  	_ =	task.clear_ibuf [dreg:s7], $0x5FFFF;
	_ =	strace $0x90000046  }
0xb2: {  	s29 =	simm.s32 $0x9;
	_ =	strace $0x80000048  }
0xb3: {  	_ =	swait.ge [sflag:s29], $0x1  }
0xb4: {  	[sflag:s29] =	ssyncadd.s32 $0xFFFFFFFF  }
0xb5: {  	_ =	strace $0x90000048  }
0xb6: {  	_ =	sfence  }
0xb7: {  	s30 =	sld [smem:$0x0];
	_ =	sdelay $0x2  }
0xb8: {  	s31 =	sshll.u32 s1, $0xD;
	s1 =	sshrl.u32 s1, $0x2  }
0xb9: {  	s3 =	sand.u32 $0x4000, s31;
	s1 =	sadd.s32 s1, s30  }
0xba: {  	s0 =	sor.u32 s3, s0;
	s1 =	sshll.u32 s1, $0x11  }
0xbb: {  	s0 =	sor.u32 s1, s0  }
0xbc: {  	s0 =	sadd.s32 $0x8F2B, s0  }
0xbd: {  	[sflag:s0] =	ssyncadd.remote.s32 $0x1  }
0xbe: {  	_ =	sfence.sel $0xFFFF  }
0xbf: {  	[dreg:$0x0] =	wrdreg $0xFFFFFFFF;
	(pc) =	sbr.abs _section_cstart, $3  }
0xc0: {  	[dreg:$0x1] =	wrdreg $0xFFFFFFFF  }
0xc1: {  	_ =	task.clear_ibuf [dreg:s7], $0x2FFFF;
	_ =	strace $0x9FFFFFFF  }
0xc2: {  	(tm) =	ssettm $0x7FFFFFFF  }
0xc3: {  	_ =	shalt  }
tec
execute0_lowered:
.L_overlay_start_1:
0x0: {  	(tag) =	ssettag $0x1  }
0x1: {  	s0 =	rddreg [dreg:$0x0];
	s1 =	srdreg.scid  }
0x2: {  	s4 =	stileid.u32;
	s5 =	simm.s32 $0x0;
	s10 =	simm.s32 $0x80  }
0x3: {  	s28 =	simm.s32 $0x5;
	s29 =	simm.s32 $0x6;
	s30 =	simm.s32 $0x7  }
0x4: {  	s31 =	simm.s32 $0x8;
	s1 =	sand.u32 $0x1, s1;
	s2 =	smul.u32 $0xD0000, s4  }
0x5: {  	[smem:$0x7FF] =	sst s5;
	s4 =	sshll.u32 s4, $0x7;
	s3 =	smul.u32 $0x68000, s1  }
0x6: {  	s11 =	sshll.u32 s1, $0x6;
	_ =	strace $0x80000047;
	s1 =	ssub.s32 $0x2, s1  }
0x7: {  	s4 =	sor.u32 s11, s4;
	s6 =	sshrl.u32 s1, $0x1;
	s11 =	simm.s32 $0x3400  }
0x8: {  	s2 =	sadd.s32 s3, s2;
	s12 =	sadd.s32 s4, s0;
	s4 =	sadd.s32 $0x27AD000, s0  }
0x9: {  	s1 =	ssub.s32 s1, s6;
	s13 =	sadd.s32 $0x4E000, s2;
	s14 =	sadd.s32 $0x34000, s2  }
0xa: {  	s16 =	sadd.s32 $0x1A000, s2;
	s18 =	sshrl.u32 s2, $0x3;
	s19 =	sadd.s32 $0x4E020, s2  }
0xb: {  	s21 =	sadd.s32 $0x34020, s2;
	s23 =	sadd.s32 $0x1A020, s2;
	s2 =	sor.u32 $0x20, s2  }
0xc: {  	s26 =	sadd.s32 $0xC00, s12;
	s1 =	smax.u32 s1, $0x1;
	[dreg:$0x6] =	wrdreg s18  }
0xd: {  	s12 =	simm.s32 $0x4400;
	s0 =	sshrl.u32 s13, $0x3;
	[dreg:$0xb] =	wrdreg s26  }
0xe: {  	s15 =	sshrl.u32 s14, $0x3;
	s17 =	sshrl.u32 s16, $0x3;
	[dreg:$0xc] =	wrdreg s1  }
0xf: {  	s20 =	sshrl.u32 s19, $0x3;
	s22 =	sshrl.u32 s21, $0x3;
	[dreg:$0x3] =	wrdreg s0  }
0x10: {  	s24 =	sshrl.u32 s23, $0x3;
	s25 =	sshrl.u32 s2, $0x3;
	[dreg:$0x4] =	wrdreg s15  }
0x11: {  	s14 =	simm.s32 $0x5400;
	s16 =	simm.s32 $0x6400;
	[dreg:$0x5] =	wrdreg s17  }
0x12: {  	s18 =	simm.s32 $0x8400;
	s19 =	simm.s32 $0x9400;
	[dreg:$0x7] =	wrdreg s20  }
0x13: {  	s21 =	simm.s32 $0x1;
	s23 =	simm.s32 $0x340;
	[dreg:$0x8] =	wrdreg s22  }
0x14: {  	s26 =	simm.s32 $0x4;
	s2 =	simm.s32 $0x0;
	[dreg:$0x9] =	wrdreg s24  }
0x15: {  	[dreg:$0xa] =	wrdreg s25;
	s17 =	simm.s32 $0x7400;
	s20 =	simm.s32 $0xA400  }
0x16: {  	s22 =	simm.s32 $0x20;
	s24 =	simm.s32 $0x2;
	s25 =	simm.s32 $0x3  }
.LBB2_1:
0x17: {  	[dreg:$0xd] =	wrdreg s2  }
0x18: {  	s0 =	simm.s32 $0x0;
	s1 =	rddreg [dreg:$0xb]  }
0x19: {  	s6 =	simm.s32 $0x200;
	s3 =	simm.s32 $0x4000;
	s7 =	simm.s32 $0x11  }
0x1a: {  	[tilespmem:s0], [sflag:$0x11] =	stream.strided.gather [hbm4b:s1+s6], $0x3400, s3, s6, $0x38;
	[tilespmem:$0xB400] =	vst v63  }
0x1b: {  	_ =	swait.ge [sflag:s7], $0x3400  }
0x1c: {  	[sflag:s7] =	ssyncset.done $0x0  }
0x1d: {  	[sflag:s7] =	ssyncadd.s32 $0xFFFFCC00  }
0x1e: {  	[tilespmem:s11], [sflag:$0x1] =	stream.indirect.gather [hbm4b:s4+s10], $0x20, s0, s10, $0xb8;
	[tilespmem:$0xB400] =	vst v63  }
0x1f: {  	p0 =	por $0x1, $0x1  }
0x20: {  	[tilespmem:s12], [sflag:$0x2] =	stream.indirect.gather [hbm4b:s4+s10], $0x20, s10, s10, $0xb8;
	[tilespmem:$0xB400] =	vst v63  }
0x21: {  	s8 =	simm.s32 $0x100;
	p0 =	por p0, p0  }
0x22: {  	[tilespmem:s14], [sflag:$0x3] =	stream.indirect.gather [hbm4b:s4+s10], $0x20, s8, s10, $0xb8;
	[tilespmem:$0xB400] =	vst v63  }
0x23: {  	s9 =	simm.s32 $0x180;
	s0 =	simm.s32 @!p0 $0xD  }
0x24: {  	[tilespmem:s16], [sflag:$0x4] =	stream.indirect.gather [hbm4b:s4+s10], $0x20, s9, s10, $0xb8;
	[tilespmem:$0xB400] =	vst v63  }
0x25: {  	_ =	swait.ge @!p0 [sflag:s0], $0x1000  }
0x26: {  	[sflag:s0] =	ssyncset.done @!p0 $0x0  }
0x27: {  	[sflag:s0] =	ssyncadd.s32 @!p0 $0xFFFFF000;
	s0 =	simm.s32 @!p0 $0xE  }
0x28: {  	_ =	swait.ge @!p0 [sflag:s0], $0x1000  }
0x29: {  	[sflag:s0] =	ssyncset.done @!p0 $0x0  }
0x2a: {  	[sflag:s0] =	ssyncadd.s32 @!p0 $0xFFFFF000;
	s0 =	simm.s32 @!p0 $0xF  }
0x2b: {  	_ =	swait.ge @!p0 [sflag:s0], $0x1000  }
0x2c: {  	[sflag:s0] =	ssyncset.done @!p0 $0x0  }
0x2d: {  	[sflag:s0] =	ssyncadd.s32 @!p0 $0xFFFFF000;
	s0 =	simm.s32 @!p0 $0x10  }
0x2e: {  	_ =	swait.ge @!p0 [sflag:s0], $0x1000  }
0x2f: {  	[sflag:s0] =	ssyncset.done @!p0 $0x0  }
0x30: {  	s13 =	simm.s32 $0x200;
	[sflag:s0] =	ssyncadd.s32 @!p0 $0xFFFFF000  }
0x31: {  	[tilespmem:s17], [sflag:$0x5] =	stream.indirect.gather [hbm4b:s4+s10], $0x20, s13, s10, $0xb8;
	[tilespmem:$0xB400] =	vst v63  }
0x32: {  	s15 =	simm.s32 $0x280  }
0x33: {  	[tilespmem:s18], [sflag:$0x6] =	stream.indirect.gather [hbm4b:s4+s10], $0x20, s15, s10, $0xb8;
	[tilespmem:$0xB400] =	vst v63  }
0x34: {  	s1 =	simm.s32 $0x300  }
0x35: {  	[tilespmem:s19], [sflag:$0x7] =	stream.indirect.gather [hbm4b:s4+s10], $0x20, s1, s10, $0xb8;
	[tilespmem:$0xB400] =	vst v63  }
0x36: {  	s2 =	simm.s32 $0x380  }
0x37: {  	[tilespmem:s20], [sflag:$0x8] =	stream.indirect.gather [hbm4b:s4+s10], $0x20, s2, s10, $0xb8;
	[tilespmem:$0xB400] =	vst v63  }
0x38: {  	_ =	swait.ge [sflag:s21], $0x1000  }
0x39: {  	[sflag:s21] =	ssyncset.done $0x0  }
0x3a: {  	s3 =	rddreg [dreg:$0x6];
	[sflag:s21] =	ssyncadd.s32 $0xFFFFF000  }
0x3b: {  	s5 =	rddreg [dreg:$0x1]  }
0x3c: {  	s0 =	sadd.s32 s5, s3  }
0x3d: {  	[hbm4b:s0+s22] =	stream.strided.scatter [tilespmem:s11], [sflag:$0x9], $0x1000, s23, s22, $0x38;
	[tilespmem:$0xB400] =	vst v63  }
0x3e: {  	_ =	swait.ge [sflag:s24], $0x1000  }
0x3f: {  	s6 =	rddreg [dreg:$0x5];
	[sflag:s24] =	ssyncset.done $0x0  }
0x40: {  	[sflag:s24] =	ssyncadd.s32 $0xFFFFF000;
	s0 =	sadd.s32 s5, s6  }
0x41: {  	[hbm4b:s0+s22] =	stream.strided.scatter [tilespmem:s12], [sflag:$0xA], $0x1000, s23, s22, $0x38;
	[tilespmem:$0xB400] =	vst v63  }
0x42: {  	_ =	swait.ge [sflag:s25], $0x1000  }
0x43: {  	s7 =	rddreg [dreg:$0x4];
	[sflag:s25] =	ssyncset.done $0x0  }
0x44: {  	[sflag:s25] =	ssyncadd.s32 $0xFFFFF000;
	s0 =	sadd.s32 s5, s7  }
0x45: {  	[hbm4b:s0+s22] =	stream.strided.scatter [tilespmem:s14], [sflag:$0xB], $0x1000, s23, s22, $0x38;
	[tilespmem:$0xB400] =	vst v63  }
0x46: {  	_ =	swait.ge [sflag:s26], $0x1000  }
0x47: {  	s8 =	rddreg [dreg:$0x3];
	[sflag:s26] =	ssyncset.done $0x0  }
0x48: {  	p0 =	por $0x0, $0x0;
	[sflag:s26] =	ssyncadd.s32 $0xFFFFF000;
	s0 =	sadd.s32 s5, s8  }
0x49: {  	[hbm4b:s0+s22] =	stream.strided.scatter [tilespmem:s16], [sflag:$0xC], $0x1000, s23, s22, $0x38;
	[tilespmem:$0xB400] =	vst v63  }
0x4a: {  	s0 =	simm.s32 @!p0 $0x9  }
0x4b: {  	_ =	swait.ge @!p0 [sflag:s0], $0x1000  }
0x4c: {  	s1 =	simm.s32 @!p0 $0x400;
	s2 =	simm.s32 @!p0 $0x80;
	[sflag:s0] =	ssyncset.done @!p0 $0x0  }
0x4d: {  	s8 =	simm.s32 @!p0 $0x3400;
	[sflag:s0] =	ssyncadd.s32 @!p0 $0xFFFFF000;
	s0 =	simm.s32 @!p0 $0xA  }
0x4e: {  	[tilespmem:s8], [sflag:$0x1] =	stream.indirect.gather @!p0 [hbm4b:s4+s2], $0x20, s1, s2, $0xb8;
	[tilespmem:$0xB400] =	vst v63  }
0x4f: {  	_ =	swait.ge @!p0 [sflag:s0], $0x1000  }
0x50: {  	s1 =	simm.s32 @!p0 $0x480;
	[sflag:s0] =	ssyncset.done @!p0 $0x0  }
0x51: {  	s8 =	simm.s32 @!p0 $0x4400;
	[sflag:s0] =	ssyncadd.s32 @!p0 $0xFFFFF000;
	s0 =	simm.s32 @!p0 $0xB  }
0x52: {  	[tilespmem:s8], [sflag:$0x2] =	stream.indirect.gather @!p0 [hbm4b:s4+s2], $0x20, s1, s2, $0xb8;
	[tilespmem:$0xB400] =	vst v63  }
0x53: {  	_ =	swait.ge @!p0 [sflag:s0], $0x1000  }
0x54: {  	s1 =	simm.s32 @!p0 $0x500;
	[sflag:s0] =	ssyncset.done @!p0 $0x0  }
0x55: {  	s8 =	simm.s32 @!p0 $0x5400;
	[sflag:s0] =	ssyncadd.s32 @!p0 $0xFFFFF000;
	s0 =	simm.s32 @!p0 $0xC  }
0x56: {  	[tilespmem:s8], [sflag:$0x3] =	stream.indirect.gather @!p0 [hbm4b:s4+s2], $0x20, s1, s2, $0xb8;
	[tilespmem:$0xB400] =	vst v63  }
0x57: {  	_ =	swait.ge @!p0 [sflag:s0], $0x1000  }
0x58: {  	[sflag:s0] =	ssyncset.done @!p0 $0x0  }
0x59: {  	s1 =	simm.s32 @!p0 $0x580;
	s8 =	simm.s32 @!p0 $0x6400;
	[sflag:s0] =	ssyncadd.s32 @!p0 $0xFFFFF000  }
0x5a: {  	[tilespmem:s8], [sflag:$0x4] =	stream.indirect.gather @!p0 [hbm4b:s4+s2], $0x20, s1, s2, $0xb8;
	[tilespmem:$0xB400] =	vst v63  }
0x5b: {  	_ =	swait.ge [sflag:s28], $0x1000  }
0x5c: {  	s9 =	rddreg [dreg:$0xa];
	[sflag:s28] =	ssyncset.done $0x0  }
0x5d: {  	[sflag:s28] =	ssyncadd.s32 $0xFFFFF000;
	s0 =	sadd.s32 s5, s9  }
0x5e: {  	[hbm4b:s0+s22] =	stream.strided.scatter [tilespmem:s17], [sflag:$0xD], $0x1000, s23, s22, $0x38;
	[tilespmem:$0xB400] =	vst v63  }
0x5f: {  	_ =	swait.ge [sflag:s29], $0x1000  }
0x60: {  	s13 =	rddreg [dreg:$0x9];
	[sflag:s29] =	ssyncset.done $0x0  }
0x61: {  	[sflag:s29] =	ssyncadd.s32 $0xFFFFF000;
	s0 =	sadd.s32 s5, s13  }
0x62: {  	[hbm4b:s0+s22] =	stream.strided.scatter [tilespmem:s18], [sflag:$0xE], $0x1000, s23, s22, $0x38;
	[tilespmem:$0xB400] =	vst v63  }
0x63: {  	_ =	swait.ge [sflag:s30], $0x1000  }
0x64: {  	p6 =	por $0x0, $0x0;
	s15 =	rddreg [dreg:$0x8];
	[sflag:s30] =	ssyncset.done $0x0  }
0x65: {  	s1 =	simm.s32 $0x1000;
	[sflag:s30] =	ssyncadd.s32 $0xFFFFF000;
	s0 =	sadd.s32 s5, s15  }
0x66: {  	[hbm4b:s0+s22] =	stream.strided.scatter [tilespmem:s19], [sflag:$0xF], $0x1000, s23, s22, $0x38;
	[tilespmem:$0xB400] =	vst v63  }
0x67: {  	p0 =	por p6, p6;
	s2 =	smov.u32 s5;
	_ =	swait.ge [sflag:s31], $0x1000  }
0x68: {  	s9 =	sadd.s32 $0x8, s5;
	s13 =	simm.s32 @!p0 $0xD;
	[sflag:s31] =	ssyncset.done $0x0  }
0x69: {  	s0 =	simm.s32 $0x2000;
	s8 =	rddreg [dreg:$0x7];
	[sflag:s31] =	ssyncadd.s32 $0xFFFFF000  }
.LBB2_2:
0x6a: {  	s15 =	sadd.s32 s2, s8  }
0x6b: {  	[hbm4b:s15+s22] =	stream.strided.scatter [tilespmem:s20], [sflag:$0x10], $0x1000, s23, s22, $0x38;
	[tilespmem:$0xB400] =	vst v63  }
0x6c: {  	_ =	swait.ge @!p0 [sflag:s13], $0x1000  }
0x6d: {  	[sflag:s13] =	ssyncset.done @!p0 $0x0  }
0x6e: {  	[sflag:s13] =	ssyncadd.s32 @!p0 $0xFFFFF000;
	s13 =	simm.s32 @!p0 $0xE  }
0x6f: {  	_ =	swait.ge @!p0 [sflag:s13], $0x1000  }
0x70: {  	[sflag:s13] =	ssyncset.done @!p0 $0x0  }
0x71: {  	[sflag:s13] =	ssyncadd.s32 @!p0 $0xFFFFF000;
	s13 =	simm.s32 @!p0 $0xF  }
0x72: {  	_ =	swait.ge @!p0 [sflag:s13], $0x1000  }
0x73: {  	[sflag:s13] =	ssyncset.done @!p0 $0x0  }
0x74: {  	[sflag:s13] =	ssyncadd.s32 @!p0 $0xFFFFF000;
	s13 =	simm.s32 @!p0 $0x10  }
0x75: {  	_ =	swait.ge @!p0 [sflag:s13], $0x1000  }
0x76: {  	s3 =	sshra.s32 s1, $0x2;
	[sflag:s13] =	ssyncset.done @!p0 $0x0  }
0x77: {  	s5 =	sadd.s32 $0x200, s3;
	[sflag:s13] =	ssyncadd.s32 @!p0 $0xFFFFF000  }
0x78: {  	[tilespmem:s17], [sflag:$0x5] =	stream.indirect.gather [hbm4b:s4+s10], $0x20, s5, s10, $0xb8;
	[tilespmem:$0xB400] =	vst v63  }
0x79: {  	s6 =	sadd.s32 $0x280, s3  }
0x7a: {  	[tilespmem:s18], [sflag:$0x6] =	stream.indirect.gather [hbm4b:s4+s10], $0x20, s6, s10, $0xb8;
	[tilespmem:$0xB400] =	vst v63  }
0x7b: {  	s7 =	sadd.s32 $0x300, s3  }
0x7c: {  	[tilespmem:s19], [sflag:$0x7] =	stream.indirect.gather [hbm4b:s4+s10], $0x20, s7, s10, $0xb8;
	[tilespmem:$0xB400] =	vst v63  }
0x7d: {  	s15 =	sadd.s32 $0x380, s3  }
0x7e: {  	[tilespmem:s20], [sflag:$0x8] =	stream.indirect.gather [hbm4b:s4+s10], $0x20, s15, s10, $0xb8;
	[tilespmem:$0xB400] =	vst v63  }
0x7f: {  	_ =	swait.ge [sflag:s21], $0x1000  }
0x80: {  	s3 =	rddreg [dreg:$0x6];
	[sflag:s21] =	ssyncset.done $0x0  }
0x81: {  	[sflag:s21] =	ssyncadd.s32 $0xFFFFF000;
	s13 =	sadd.s32 s9, s3  }
0x82: {  	[hbm4b:s13+s22] =	stream.strided.scatter [tilespmem:s11], [sflag:$0x9], $0x1000, s23, s22, $0x38;
	[tilespmem:$0xB400] =	vst v63  }
0x83: {  	_ =	swait.ge [sflag:s24], $0x1000  }
0x84: {  	s5 =	rddreg [dreg:$0x5];
	[sflag:s24] =	ssyncset.done $0x0  }
0x85: {  	[sflag:s24] =	ssyncadd.s32 $0xFFFFF000;
	s13 =	sadd.s32 s9, s5  }
0x86: {  	[hbm4b:s13+s22] =	stream.strided.scatter [tilespmem:s12], [sflag:$0xA], $0x1000, s23, s22, $0x38;
	[tilespmem:$0xB400] =	vst v63  }
0x87: {  	_ =	swait.ge [sflag:s25], $0x1000  }
0x88: {  	s6 =	rddreg [dreg:$0x4];
	[sflag:s25] =	ssyncset.done $0x0  }
0x89: {  	[sflag:s25] =	ssyncadd.s32 $0xFFFFF000;
	s13 =	sadd.s32 s9, s6  }
0x8a: {  	[hbm4b:s13+s22] =	stream.strided.scatter [tilespmem:s14], [sflag:$0xB], $0x1000, s23, s22, $0x38;
	[tilespmem:$0xB400] =	vst v63  }
0x8b: {  	p2 =	seq.s32 s0, $0x0;
	_ =	swait.ge [sflag:s26], $0x1000  }
0x8c: {  	p0 =	por p2, p2;
	s7 =	rddreg [dreg:$0x3];
	[sflag:s26] =	ssyncset.done $0x0  }
0x8d: {  	p2 =	seq.s32 s1, $0xC000;
	[sflag:s26] =	ssyncadd.s32 $0xFFFFF000;
	s13 =	sadd.s32 s9, s7  }
0x8e: {  	[hbm4b:s13+s22] =	stream.strided.scatter [tilespmem:s16], [sflag:$0xC], $0x1000, s23, s22, $0x38;
	[tilespmem:$0xB400] =	vst v63  }
0x8f: {  	s8 =	smov.u32 s0;
	s13 =	simm.s32 @!p2 $0x9  }
0x90: {  	s15 =	sshra.s32 @!p2 s1, $0x2;
	s1 =	smov.u32 s8;
	_ =	swait.ge @!p2 [sflag:s13], $0x1000  }
0x91: {  	s8 =	sadd.s32 @!p2 $0x400, s15;
	s5 =	simm.s32 @!p2 $0x80;
	[sflag:s13] =	ssyncset.done @!p2 $0x0  }
0x92: {  	s7 =	simm.s32 @!p2 $0x3400;
	[sflag:s13] =	ssyncadd.s32 @!p2 $0xFFFFF000;
	s13 =	simm.s32 @!p2 $0xA  }
0x93: {  	[tilespmem:s7], [sflag:$0x1] =	stream.indirect.gather @!p2 [hbm4b:s4+s5], $0x20, s8, s5, $0xb8;
	[tilespmem:$0xB400] =	vst v63  }
0x94: {  	_ =	swait.ge @!p2 [sflag:s13], $0x1000  }
0x95: {  	s3 =	sadd.s32 @!p2 $0x480, s15;
	[sflag:s13] =	ssyncset.done @!p2 $0x0  }
0x96: {  	s8 =	simm.s32 @!p2 $0x4400;
	[sflag:s13] =	ssyncadd.s32 @!p2 $0xFFFFF000;
	s13 =	simm.s32 @!p2 $0xB  }
0x97: {  	[tilespmem:s8], [sflag:$0x2] =	stream.indirect.gather @!p2 [hbm4b:s4+s5], $0x20, s3, s5, $0xb8;
	[tilespmem:$0xB400] =	vst v63  }
0x98: {  	_ =	swait.ge @!p2 [sflag:s13], $0x1000  }
0x99: {  	s6 =	sadd.s32 @!p2 $0x500, s15;
	[sflag:s13] =	ssyncset.done @!p2 $0x0  }
0x9a: {  	s3 =	simm.s32 @!p2 $0x5400;
	s8 =	simm.s32 @!p2 $0xC;
	[sflag:s13] =	ssyncadd.s32 @!p2 $0xFFFFF000  }
0x9b: {  	[tilespmem:s3], [sflag:$0x3] =	stream.indirect.gather @!p2 [hbm4b:s4+s5], $0x20, s6, s5, $0xb8;
	[tilespmem:$0xB400] =	vst v63  }
0x9c: {  	_ =	swait.ge @!p2 [sflag:s8], $0x1000  }
0x9d: {  	[sflag:s8] =	ssyncset.done @!p2 $0x0  }
0x9e: {  	s7 =	sadd.s32 @!p2 $0x580, s15;
	s3 =	simm.s32 @!p2 $0x6400;
	[sflag:s8] =	ssyncadd.s32 @!p2 $0xFFFFF000  }
0x9f: {  	[tilespmem:s3], [sflag:$0x4] =	stream.indirect.gather @!p2 [hbm4b:s4+s5], $0x20, s7, s5, $0xb8;
	[tilespmem:$0xB400] =	vst v63  }
0xa0: {  	_ =	swait.ge [sflag:s28], $0x1000  }
0xa1: {  	s8 =	rddreg [dreg:$0xa];
	[sflag:s28] =	ssyncset.done $0x0  }
0xa2: {  	[sflag:s28] =	ssyncadd.s32 $0xFFFFF000;
	s3 =	sadd.s32 s9, s8  }
0xa3: {  	[hbm4b:s3+s22] =	stream.strided.scatter [tilespmem:s17], [sflag:$0xD], $0x1000, s23, s22, $0x38;
	[tilespmem:$0xB400] =	vst v63  }
0xa4: {  	_ =	swait.ge [sflag:s29], $0x1000  }
0xa5: {  	s13 =	rddreg [dreg:$0x9];
	[sflag:s29] =	ssyncset.done $0x0  }
0xa6: {  	[sflag:s29] =	ssyncadd.s32 $0xFFFFF000;
	s3 =	sadd.s32 s9, s13  }
0xa7: {  	[hbm4b:s3+s22] =	stream.strided.scatter [tilespmem:s18], [sflag:$0xE], $0x1000, s23, s22, $0x38;
	[tilespmem:$0xB400] =	vst v63  }
0xa8: {  	s0 =	sadd.s32 $0x1000, s0;
	_ =	swait.ge [sflag:s30], $0x1000  }
0xa9: {  	p1 =	sne.s32 s0, $0xD000;
	s15 =	rddreg [dreg:$0x8];
	[sflag:s30] =	ssyncset.done $0x0  }
.Ltmp0:
0xaa: {  	[sflag:s30] =	ssyncadd.s32 $0xFFFFF000;
	s3 =	sadd.s32 s9, s15;
	(pc) =	sbr.rel @p1 .LBB2_2-.Ltmp0, $4  }
0xab: {  	[hbm4b:s3+s22] =	stream.strided.scatter [tilespmem:s19], [sflag:$0xF], $0x1000, s23, s22, $0x38;
	[tilespmem:$0xB400] =	vst v63  }
0xac: {  	_ =	swait.ge [sflag:s31], $0x1000  }
0xad: {  	s2 =	smov.u32 s9;
	s13 =	simm.s32 @!p0 $0xD;
	[sflag:s31] =	ssyncset.done $0x0  }
0xae: {  	s9 =	sadd.s32 $0x8, s9;
	s8 =	rddreg [dreg:$0x7];
	[sflag:s31] =	ssyncadd.s32 $0xFFFFF000  }
0xaf: {  	s0 =	sadd.s32 s2, s8  }
0xb0: {  	[hbm4b:s0+s22] =	stream.strided.scatter [tilespmem:s20], [sflag:$0x10], $0x1000, s23, s22, $0x38;
	[tilespmem:$0xB400] =	vst v63  }
0xb1: {  	_ =	swait.ge @!p0 [sflag:s13], $0x1000  }
0xb2: {  	[sflag:s13] =	ssyncset.done @!p0 $0x0  }
0xb3: {  	s0 =	simm.s32 @!p0 $0xE;
	[sflag:s13] =	ssyncadd.s32 @!p0 $0xFFFFF000  }
0xb4: {  	_ =	swait.ge @!p0 [sflag:s0], $0x1000  }
0xb5: {  	[sflag:s0] =	ssyncset.done @!p0 $0x0  }
0xb6: {  	[sflag:s0] =	ssyncadd.s32 @!p0 $0xFFFFF000;
	s0 =	simm.s32 @!p0 $0xF  }
0xb7: {  	_ =	swait.ge @!p0 [sflag:s0], $0x1000  }
0xb8: {  	[sflag:s0] =	ssyncset.done @!p0 $0x0  }
0xb9: {  	[sflag:s0] =	ssyncadd.s32 @!p0 $0xFFFFF000;
	s0 =	simm.s32 @!p0 $0x10  }
0xba: {  	_ =	swait.ge @!p0 [sflag:s0], $0x1000  }
0xbb: {  	s6 =	sshra.s32 s1, $0x2;
	[sflag:s0] =	ssyncset.done @!p0 $0x0  }
0xbc: {  	s7 =	sadd.s32 $0x200, s6;
	[sflag:s0] =	ssyncadd.s32 @!p0 $0xFFFFF000  }
0xbd: {  	[tilespmem:s17], [sflag:$0x5] =	stream.indirect.gather [hbm4b:s4+s10], $0x20, s7, s10, $0xb8;
	[tilespmem:$0xB400] =	vst v63  }
0xbe: {  	s8 =	sadd.s32 $0x280, s6  }
0xbf: {  	[tilespmem:s18], [sflag:$0x6] =	stream.indirect.gather [hbm4b:s4+s10], $0x20, s8, s10, $0xb8;
	[tilespmem:$0xB400] =	vst v63  }
0xc0: {  	s13 =	sadd.s32 $0x300, s6  }
0xc1: {  	[tilespmem:s19], [sflag:$0x7] =	stream.indirect.gather [hbm4b:s4+s10], $0x20, s13, s10, $0xb8;
	[tilespmem:$0xB400] =	vst v63  }
0xc2: {  	s15 =	sadd.s32 $0x380, s6  }
0xc3: {  	[tilespmem:s20], [sflag:$0x8] =	stream.indirect.gather [hbm4b:s4+s10], $0x20, s15, s10, $0xb8;
	[tilespmem:$0xB400] =	vst v63  }
0xc4: {  	_ =	swait.ge [sflag:s21], $0x1000  }
0xc5: {  	s2 =	rddreg [dreg:$0x6];
	[sflag:s21] =	ssyncset.done $0x0  }
0xc6: {  	[sflag:s21] =	ssyncadd.s32 $0xFFFFF000;
	s0 =	sadd.s32 s9, s2  }
0xc7: {  	[hbm4b:s0+s22] =	stream.strided.scatter [tilespmem:s11], [sflag:$0x9], $0x1000, s23, s22, $0x38;
	[tilespmem:$0xB400] =	vst v63  }
0xc8: {  	_ =	swait.ge [sflag:s24], $0x1000  }
0xc9: {  	s3 =	rddreg [dreg:$0x5];
	[sflag:s24] =	ssyncset.done $0x0  }
0xca: {  	[sflag:s24] =	ssyncadd.s32 $0xFFFFF000;
	s0 =	sadd.s32 s9, s3  }
0xcb: {  	[hbm4b:s0+s22] =	stream.strided.scatter [tilespmem:s12], [sflag:$0xA], $0x1000, s23, s22, $0x38;
	[tilespmem:$0xB400] =	vst v63  }
0xcc: {  	_ =	swait.ge [sflag:s25], $0x1000  }
0xcd: {  	s5 =	rddreg [dreg:$0x4];
	[sflag:s25] =	ssyncset.done $0x0  }
0xce: {  	[sflag:s25] =	ssyncadd.s32 $0xFFFFF000;
	s0 =	sadd.s32 s9, s5  }
0xcf: {  	[hbm4b:s0+s22] =	stream.strided.scatter [tilespmem:s14], [sflag:$0xB], $0x1000, s23, s22, $0x38;
	[tilespmem:$0xB400] =	vst v63  }
0xd0: {  	_ =	swait.ge [sflag:s26], $0x1000  }
0xd1: {  	s6 =	rddreg [dreg:$0x3];
	[sflag:s26] =	ssyncset.done $0x0  }
0xd2: {  	p0 =	seq.s32 s1, $0xC000;
	[sflag:s26] =	ssyncadd.s32 $0xFFFFF000;
	s0 =	sadd.s32 s9, s6  }
0xd3: {  	[hbm4b:s0+s22] =	stream.strided.scatter [tilespmem:s16], [sflag:$0xC], $0x1000, s23, s22, $0x38;
	[tilespmem:$0xB400] =	vst v63  }
0xd4: {  	s0 =	simm.s32 @!p0 $0x9  }
0xd5: {  	s1 =	sshra.s32 @!p0 s1, $0x2;
	_ =	swait.ge @!p0 [sflag:s0], $0x1000  }
0xd6: {  	s2 =	sadd.s32 @!p0 $0x400, s1;
	[sflag:s0] =	ssyncset.done @!p0 $0x0  }
0xd7: {  	s3 =	simm.s32 @!p0 $0x80;
	[sflag:s0] =	ssyncadd.s32 @!p0 $0xFFFFF000;
	s0 =	simm.s32 @!p0 $0x3400  }
0xd8: {  	[tilespmem:s0], [sflag:$0x1] =	stream.indirect.gather @!p0 [hbm4b:s4+s3], $0x20, s2, s3, $0xb8;
	[tilespmem:$0xB400] =	vst v63  }
0xd9: {  	s0 =	simm.s32 @!p0 $0xA  }
0xda: {  	_ =	swait.ge @!p0 [sflag:s0], $0x1000  }
0xdb: {  	[sflag:s0] =	ssyncset.done @!p0 $0x0  }
0xdc: {  	s2 =	sadd.s32 @!p0 $0x480, s1;
	[sflag:s0] =	ssyncadd.s32 @!p0 $0xFFFFF000;
	s0 =	simm.s32 @!p0 $0x4400  }
0xdd: {  	[tilespmem:s0], [sflag:$0x2] =	stream.indirect.gather @!p0 [hbm4b:s4+s3], $0x20, s2, s3, $0xb8;
	[tilespmem:$0xB400] =	vst v63  }
0xde: {  	s0 =	simm.s32 @!p0 $0xB  }
0xdf: {  	_ =	swait.ge @!p0 [sflag:s0], $0x1000  }
0xe0: {  	[sflag:s0] =	ssyncset.done @!p0 $0x0  }
0xe1: {  	s2 =	sadd.s32 @!p0 $0x500, s1;
	[sflag:s0] =	ssyncadd.s32 @!p0 $0xFFFFF000;
	s0 =	simm.s32 @!p0 $0x5400  }
0xe2: {  	[tilespmem:s0], [sflag:$0x3] =	stream.indirect.gather @!p0 [hbm4b:s4+s3], $0x20, s2, s3, $0xb8;
	[tilespmem:$0xB400] =	vst v63  }
0xe3: {  	s0 =	simm.s32 @!p0 $0xC  }
0xe4: {  	_ =	swait.ge @!p0 [sflag:s0], $0x1000  }
0xe5: {  	[sflag:s0] =	ssyncset.done @!p0 $0x0  }
0xe6: {  	s1 =	sadd.s32 @!p0 $0x580, s1;
	[sflag:s0] =	ssyncadd.s32 @!p0 $0xFFFFF000;
	s0 =	simm.s32 @!p0 $0x6400  }
0xe7: {  	[tilespmem:s0], [sflag:$0x4] =	stream.indirect.gather @!p0 [hbm4b:s4+s3], $0x20, s1, s3, $0xb8;
	[tilespmem:$0xB400] =	vst v63  }
0xe8: {  	_ =	swait.ge [sflag:s28], $0x1000  }
0xe9: {  	s7 =	rddreg [dreg:$0xa];
	[sflag:s28] =	ssyncset.done $0x0  }
0xea: {  	[sflag:s28] =	ssyncadd.s32 $0xFFFFF000;
	s0 =	sadd.s32 s9, s7  }
0xeb: {  	[hbm4b:s0+s22] =	stream.strided.scatter [tilespmem:s17], [sflag:$0xD], $0x1000, s23, s22, $0x38;
	[tilespmem:$0xB400] =	vst v63  }
0xec: {  	_ =	swait.ge [sflag:s29], $0x1000  }
0xed: {  	s8 =	rddreg [dreg:$0x9];
	[sflag:s29] =	ssyncset.done $0x0  }
0xee: {  	[sflag:s29] =	ssyncadd.s32 $0xFFFFF000;
	s0 =	sadd.s32 s9, s8  }
0xef: {  	[hbm4b:s0+s22] =	stream.strided.scatter [tilespmem:s18], [sflag:$0xE], $0x1000, s23, s22, $0x38;
	[tilespmem:$0xB400] =	vst v63  }
0xf0: {  	_ =	swait.ge [sflag:s30], $0x1000  }
0xf1: {  	s13 =	rddreg [dreg:$0x8];
	[sflag:s30] =	ssyncset.done $0x0  }
0xf2: {  	[sflag:s30] =	ssyncadd.s32 $0xFFFFF000;
	s0 =	sadd.s32 s9, s13  }
0xf3: {  	[hbm4b:s0+s22] =	stream.strided.scatter [tilespmem:s19], [sflag:$0xF], $0x1000, s23, s22, $0x38;
	[tilespmem:$0xB400] =	vst v63  }
0xf4: {  	_ =	swait.ge [sflag:s31], $0x1000  }
0xf5: {  	s15 =	rddreg [dreg:$0x7];
	[sflag:s31] =	ssyncset.done $0x0  }
0xf6: {  	s1 =	simm.s32 $0x9;
	s0 =	sadd.s32 s9, s15;
	[sflag:s31] =	ssyncadd.s32 $0xFFFFF000  }
0xf7: {  	[hbm4b:s0+s22] =	stream.strided.scatter [tilespmem:s20], [sflag:$0x10], $0x1000, s23, s22, $0x38;
	[tilespmem:$0xB400] =	vst v63  }
0xf8: {  	_ =	swait.ge [sflag:s1], $0x1000  }
0xf9: {  	[sflag:s1] =	ssyncset.done $0x0  }
0xfa: {  	s2 =	simm.s32 $0xA;
	[sflag:s1] =	ssyncadd.s32 $0xFFFFF000  }
0xfb: {  	_ =	swait.ge [sflag:s2], $0x1000  }
0xfc: {  	[sflag:s2] =	ssyncset.done $0x0  }
0xfd: {  	s3 =	simm.s32 $0xB;
	[sflag:s2] =	ssyncadd.s32 $0xFFFFF000  }
0xfe: {  	_ =	swait.ge [sflag:s3], $0x1000  }
0xff: {  	[sflag:s3] =	ssyncset.done $0x0  }
0x100: {  	s5 =	simm.s32 $0xC;
	[sflag:s3] =	ssyncadd.s32 $0xFFFFF000  }
0x101: {  	_ =	swait.ge [sflag:s5], $0x1000  }
0x102: {  	[sflag:s5] =	ssyncset.done $0x0  }
0x103: {  	s6 =	simm.s32 $0xD;
	[sflag:s5] =	ssyncadd.s32 $0xFFFFF000  }
0x104: {  	_ =	swait.ge [sflag:s6], $0x1000  }
0x105: {  	[sflag:s6] =	ssyncset.done $0x0  }
0x106: {  	s7 =	simm.s32 $0xE;
	[sflag:s6] =	ssyncadd.s32 $0xFFFFF000  }
0x107: {  	_ =	swait.ge [sflag:s7], $0x1000  }
0x108: {  	[sflag:s7] =	ssyncset.done $0x0  }
0x109: {  	s8 =	simm.s32 $0xF;
	[sflag:s7] =	ssyncadd.s32 $0xFFFFF000  }
0x10a: {  	_ =	swait.ge [sflag:s8], $0x1000  }
0x10b: {  	[sflag:s8] =	ssyncset.done $0x0  }
0x10c: {  	s9 =	simm.s32 $0x10;
	[sflag:s8] =	ssyncadd.s32 $0xFFFFF000  }
0x10d: {  	_ =	swait.ge [sflag:s9], $0x1000  }
0x10e: {  	s13 =	rddreg [dreg:$0xd]  }
0x10f: {  	s15 =	rddreg [dreg:$0xc];
	s2 =	sadd.s32 $0x1, s13  }
0x110: {  	p0 =	sne.s32 s2, s15  }
.Ltmp1:
0x111: {  	_ = 	snop;
	(pc) =	sbr.rel @p0 .LBB2_1-.Ltmp1, $3  }
0x112: {  	_ =	sdelay $0x1  }
0x113: {  	[sflag:s9] =	ssyncset.done $0x0  }
0x114: {  	[sflag:s9] =	ssyncadd.s32 $0xFFFFF000  }
0x115: {  	_ =	sfence.sel $0x180000  }
0x116: {  	[bflag:$0x0] =	sbarrier.arrive $0xFFFF  }
0x117: {  	_ =	strace $0x90000047  }
0x118: {  	s0 =	stileid.u32;
	[bflag:$0x2] =	sbarrier.arrive $0xFFFF  }
0x119: {  	p0 =	sne.s32 s0, $0x0;
	s0 =	rddreg [dreg:$0x2]  }
0x11a: {  	s0 =	sadd.s32 @!p0 $0x100000, s0  }
0x11b: {  	[sflag:s0] =	ssyncadd.tile.s32 @!p0 $0x1;
	_ =	shalt  }
.Lfunc_end2:
_tile_overlayer_lowered:
.L_overlay_start_2:
0x11c: {  	(tag) =	ssettag $0x2  }
0x11d: {  	s0 =	rddreg [dreg:$0x0];
	s2 =	stileid.u32  }
0x11e: {  	s1 =	rddreg [dreg:$0x1];
	p0 =	sne.s32 s2, $0x0  }
0x11f: {  	s3 =	rddreg [dreg:$0x2];
	[bflag:$0x3] =	sbarrier.arrive $0xFFFF;
	s2 =	simm.s32 @!p0 $0x1C11  }
0x120: {  	[timem:s3], [sflag:s2] =	dma.local @!p0 [hbm:s0], s1  }
0x121: {  	s0 =	simm.s32 @!p0 $0x11  }
0x122: {  	_ =	swait.ge @!p0 [sflag:s0], s1  }
0x123: {  	s1 =	ssub.s32 @!p0 $0x0, s1;
	[sflag:s0] =	ssyncset.done @!p0 $0x0  }
0x124: {  	[sflag:s0] =	ssyncadd.s32 @!p0 s1  }
0x125: {  	[bflag:$0x3] =	sbarrier.arrive $0xFFFF  }
0x126: {  	_ =	shalt  }

// kernel: sparse-core-data-format-call.cloned.1.call-start
scs
called_computation_lowered:
.L_overlay_start_0:
0x0: {  	s2 =	sld [smem:$0x3FD9]  }
0x1: {  	s3 =	sld [smem:$0x3FFE];
	_ =	sdelay $0x1  }
0x2: {  	s1 =	srdreg.scid  }
0x3: {  	s0 =	sand.u32 $0x1, s1  }
0x4: {  	s18 =	sshll.u32 s0, $0xA;
	s2 =	sadd.s32 s3, s2  }
0x5: {  	s2 =	sadd.s32 s2, s18  }
0x6: {  	[smem:$0x3FC6] =	sst s2  }
0x7: {  	_ = 	snop  }
0x8: {  	s2 =	sld [smem:$0x3FD0];
	(tm) =	ssettm $0x1  }
0x9: {  	s19 =	sld [smem:$0x3FFB];
	_ =	sdelay $0x3  }
0xa: {  	_ =	strace s19  }
0xb: {  	s3 =	sld [smem:$0x3FFC];
	_ =	sdelay $0x3  }
0xc: {  	_ =	strace s3  }
0xd: {  	s3 =	sld [smem:$0x3FFD];
	_ =	sdelay $0x3  }
0xe: {  	_ =	strace s3  }
0xf: {  	_ =	strace $0x8FFFFFFF  }
0x10: {  	s20 =	sld [smem:$0x3FDB];
	_ =	sdelay $0x1  }
0x11: {  	s4 =	simm.s32 $_scs_section_size  }
0x12: {  	s5 =	simm.s32 $_size__tile_overlayer_lowered;
	s6 =	simm.s32 $_tile_overlayer_lowered  }
0x13: {  	s23 =	simm.s32 $0x1BFF;
	s22 =	sshll.u32 s6, $0x1;
	s3 =	sadd.s32 s4, s20  }
0x14: {  	s7 =	simm.s32 $0x0;
	s21 =	sshll.u32 s5, $0x1;
	s5 =	sadd.s32 s22, s3  }
0x15: {  	[timem:s7], [sflag:s23] =	dma.local [hbm:s5], s21  }
0x16: {  	_ =	swait.ge [sflag:s23], s21  }
0x17: {  	s4 =	ssub.s32 $0x0, s21;
	[sflag:s23] =	ssyncset.done $0x0  }
0x18: {  	[sflag:s23] =	ssyncadd.s32 s4;
	_ =	sdelay $0x1  }
0x19: {  	s24 =	simm.s32 $0x1B8B  }
0x1a: {  	_ =	swait.ge [sflag:s24], $0x1  }
0x1b: {  	[sflag:s24] =	ssyncset.done $0x0  }
0x1c: {  	s26 =	simm.s32 $0x1B8E;
	s25 =	sld [smem:$0x3FFE];
	[sflag:s24] =	ssyncadd.s32 $0xFFFFFFFF  }
0x1d: {  	s27 =	simm.s32 $execute0_lowered;
	[smem:$0x3FD2] =	sst s26  }
0x1e: {  	s5 =	sshll.u32 s27, $0x1;
	_ =	strace $0x80000049;
	[dreg:$0x1] =	wrdreg $0xFFFFFFFF  }
0x1f: {  	s28 =	simm.s32 $_size_execute0_lowered;
	s3 =	sadd.s32 s3, s5;
	[dreg:$0x0] =	wrdreg $0x0  }
0x20: {  	s5 =	sshll.u32 s28, $0x1;
	[dreg:$0x2] =	wrdreg s3  }
0x21: {  	[dreg:$0x3] =	wrdreg s5  }
0x22: {  	[dreg:$0x4] =	wrdreg $0xC0  }
0x23: {  	_ =	task [dreg:s7], $0x5FFFF  }
0x24: {  	[dreg:$0x1] =	wrdreg $0xFFFFFFFF  }
0x25: {  	[dreg:$0x0] =	wrdreg $0x60  }
0x26: {  	[dreg:$0x2] =	wrdreg s25  }
0x27: {  	[dreg:$0x3] =	wrdreg s2  }
0x28: {  	[dreg:$0x4] =	wrdreg $0x9  }
0x29: {  	_ =	task.clear_ibuf [dreg:s7], $0x5FFFF;
	_ =	strace $0x90000049  }
0x2a: {  	s29 =	simm.s32 $0x9;
	_ =	strace $0x8000004B  }
0x2b: {  	_ =	swait.ge [sflag:s29], $0x1  }
0x2c: {  	[sflag:s29] =	ssyncadd.s32 $0xFFFFFFFF  }
0x2d: {  	_ =	strace $0x9000004B  }
0x2e: {  	_ =	sfence  }
0x2f: {  	s30 =	sld [smem:$0x0];
	_ =	sdelay $0x2  }
0x30: {  	s31 =	sshll.u32 s1, $0xD;
	s1 =	sshrl.u32 s1, $0x2  }
0x31: {  	s3 =	sand.u32 $0x4000, s31;
	s1 =	sadd.s32 s1, s30  }
0x32: {  	s0 =	sor.u32 s3, s0;
	s1 =	sshll.u32 s1, $0x11  }
0x33: {  	s0 =	sor.u32 s1, s0  }
0x34: {  	s0 =	sadd.s32 $0x8F2B, s0  }
0x35: {  	[sflag:s0] =	ssyncadd.remote.s32 $0x1  }
0x36: {  	_ =	sfence.sel $0xFFFF  }
0x37: {  	[dreg:$0x0] =	wrdreg $0xFFFFFFFF;
	(pc) =	sbr.abs _section_cstart, $3  }
0x38: {  	[dreg:$0x1] =	wrdreg $0xFFFFFFFF  }
0x39: {  	_ =	task.clear_ibuf [dreg:s7], $0x2FFFF;
	_ =	strace $0x9FFFFFFF  }
0x3a: {  	(tm) =	ssettm $0x7FFFFFFF  }
0x3b: {  	_ =	shalt  }
tec
execute0_lowered:
.L_overlay_start_1:
0x0: {  	(tag) =	ssettag $0x1  }
0x1: {  	s0 =	srdreg.scid  }
0x2: {  	s1 =	sshll.u32 s0, $0x4  }
0x3: {  	s6 =	rddreg [dreg:$0x0];
	s0 =	stileid.u32;
	s1 =	sand.u32 $0x10, s1  }
0x4: {  	s3 =	rddreg [dreg:$0x1];
	s1 =	sor.u32 s0, s1  }
0x5: {  	s5 =	simm.s32 $0x1;
	s31 =	simm.s32 $0x2;
	s2 =	sshll.u32 s1, $0x7  }
0x6: {  	s15 =	simm.s32 $0x0;
	s8 =	simm.s32 $0x20000;
	s4 =	ssub.s32 $0x4000, s2  }
0x7: {  	s14 =	simm.s32 $0x0;
	s9 =	simm.s32 $0x0;
	s30 =	sand.u32 $0xF80, s4  }
0x8: {  	s10 =	simm.s32 $0x0;
	s11 =	simm.s32 $0x0;
	p0 =	sne.s32 s30, $0x0  }
.Ltmp0:
0x9: {  	s7 =	sshrl.u32 s4, $0xC;
	s5 =	simm.s32 @!p0 $0x0;
	(pc) =	sbr.rel .LBB1_1-.Ltmp0, $4  }
0xa: {  	s13 =	simm.s32 $0x0;
	s1 =	rddreg [dreg:$0x2];
	s5 =	sadd.s32 s5, s7  }
0xb: {  	_ =	strace $0x8000004A;
	s4 =	simm.s32 $0x1;
	s5 =	smul.u32 $0x7, s5  }
0xc: {  	s6 =	sadd.s32 $0xC00, s6;
	s12 =	smov.u32 s2;
	[sflag:s4] =	ssyncpa.u1 $0x0  }
0xd: {  	[sflag:s31] =	ssyncpa.u1 $0x0;
	p0 =	por $0x0, $0x0;
	s7 =	sadd.s32 $0x1, s5  }
.LBB1_4:
0xe: {  	s20 =	sshra.s32 s20, $0x2  }
0xf: {  	s28 =	sand.u32 $0x78, s10;
	s21 =	sshll.u32 s9, $0xE;
	s22 =	sshll.u32 s10, $0x3  }
0x10: {  	s24 =	sshll.u32 s9, $0x7;
	p1 =	sgt.s32 s9, $0x2C0;
	s30 =	sshra.s32 s9, $0x1F  }
0x11: {  	s26 =	sshra.s32 s10, $0x1F;
	s19 =	sadd.s32 s20, s19;
	s21 =	sand.u32 $0xFFFE0000, s21  }
0x12: {  	v5 =	vld [tilespmem:s17+$0xFFFFFFD0];
	[tilespmem:s18+$0x2040 ss:$0x81] =	vst.msk $0xffff, v4;
	s23 =	sand.u32 $0xFFFFFC00, s22;
	s29 =	sand.u32 $0x380, s24;
	s22 =	sand.u32 $0x3C00, s22  }
0x13: {  	v58 =	vld [tilespmem:s17+$0xFFFFFFE0];
	[tilespmem:s18+$0x2850 ss:$0x81] =	vst.msk $0xffff, v3;
	s21 =	sadd.s32 s23, s21;
	s20 =	sor.u32 s28, s22;
	s22 =	smov.u32 s9  }
0x14: {  	v59 =	vld [tilespmem:s17+$0xFFFFFFF0];
	[tilespmem:s18+$0x3060 ss:$0x81] =	vst.msk $0xffff, v2;
	s24 =	sand.u32 s30, s9;
	s21 =	sshrl.u32 s21, $0xE;
	s22 =	simm.s32 @!p1 $0x2C0  }
0x15: {  	v60 =	vld [tilespmem:s17+$0x0];
	[tilespmem:s18+$0x0 ss:$0x81] =	vst.msk $0xffff, v1;
	p1 =	sgt.s32 s10, $0x3F80;
	s31 =	ssub.s32 s22, s24;
	s22 =	smov.u32 s10  }
0x16: {  	v61 =	vld [tilespmem:s17+$0x10];
	[tilespmem:s19+$0x3870 ss:$0x81] =	vst.msk $0xffff, v0;
	s25 =	smulhi.u32 $0x4EC4ED, s21;
	s24 =	sand.u32 s26, s10;
	s22 =	simm.s32 @!p1 $0x3F80  }
0x17: {  	v62 =	vld [tilespmem:s17+$0x20];
	s20 =	sor.u32 s29, s20;
	[tilespmem:s19+$0x810 ss:$0x81] =	vst.msk $0xffff, v5;
	s27 =	sadd.s32 $0xFFFFFD40, s31;
	s22 =	ssub.s32 s22, s24  }
0x18: {  	v63 =	vld [tilespmem:s17+$0xFFFFFFC0];
	[tilespmem:s19+$0x1020 ss:$0x81] =	vst.msk $0xffff, v58;
	s18 =	ssub.s32 $0x340, s31;
	s28 =	smul.u32 $0x340, s25;
	s29 =	sadd.s32 $0xFFFFC080, s22  }
0x19: {  	[tilespmem:s19+$0x1830 ss:$0x81] =	vst.msk $0xffff, v59;
	p1 =	sgt.s32 s27, $0x7F;
	s22 =	ssub.s32 $0x4000, s22;
	p2 =	sgt.s32 s29, $0x7F  }
0x1a: {  	s30 =	sand.u32 $0x7, s10;
	[tilespmem:s19+$0x2040 ss:$0x81] =	vst.msk $0xffff, v60;
	s18 =	simm.s32 @p1 $0x0;
	s22 =	simm.s32 @p2 $0x0  }
0x1b: {  	s20 =	sshrl.u32 s20, $0x3;
	[tilespmem:s19+$0x2850 ss:$0x81] =	vst.msk $0xffff, v61;
	s17 =	ssub.s32 s21, s28;
	s18 =	smul.u32 s22, s18  }
0x1c: {  	[tilespmem:s19+$0x3060 ss:$0x81] =	vst.msk $0xffff, v62;
	s20 =	sadd.s32 s3, s20;
	s21 =	sshll.u32 s30, $0x12;
	s17 =	sshll.u32 s17, $0xB  }
0x1d: {  	[tilespmem:s19+$0x0 ss:$0x81] =	vst.msk $0xffff, v63;
	s31 =	sor.u32 $0x400, s21;
	s17 =	sadd.s32 s17, s20;
	s18 =	sand.u32 $0x3FFFFFFF, s18  }
0x1e: {  	[hbm4b:s17+s31] =	stream.strided.scatter [tilespmem:s16], [sflag:$0x2], s18, s8, s31, $0x20;
	[tilespmem:$0x10100] =	vst v63  }
.LBB1_5:
0x1f: {  	p1 =	slt.u32 s13, $0x2  }
0x20: {  	s17 =	smov.u32 s15;
	p2 =	sgt.s32 @!p1 s15, $0x2C0;
	s16 =	sshra.s32 @!p1 s15, $0x1F  }
0x21: {  	p3 =	sgt.s32 @!p1 s14, $0x3F80;
	s18 =	sshra.s32 @!p1 s14, $0x1F;
	p2 =	por !p2, p1  }
0x22: {  	s15 =	sand.u32 @!p1 s16, s15;
	p3 =	por !p3, p1;
	s16 =	smov.u32 s14  }
0x23: {  	s14 =	sand.u32 @!p1 s18, s14;
	s17 =	simm.s32 @p2 $0x2C0;
	s16 =	simm.s32 @p3 $0x3F80  }
0x24: {  	s15 =	ssub.s32 @!p1 s17, s15;
	s14 =	ssub.s32 @!p1 s16, s14  }
0x25: {  	s18 =	smov.u32 s12;
	s16 =	sadd.s32 @!p1 $0xFFFFFD40, s15;
	s17 =	sadd.s32 @!p1 $0xFFFFC080, s14  }
0x26: {  	s15 =	ssub.s32 @!p1 $0x340, s15;
	p2 =	sgt.s32 @!p1 s16, $0x7F;
	p3 =	sgt.s32 @!p1 s17, $0x7F  }
0x27: {  	s14 =	ssub.s32 @!p1 $0x4000, s14;
	p2 =	por !p2, p1;
	p3 =	por !p3, p1  }
0x28: {  	s16 =	sadd.s32 $0x80, s11;
	s15 =	simm.s32 @!p2 $0x0;
	s14 =	simm.s32 @!p3 $0x0  }
0x29: {  	p2 =	sgt.s32 s16, $0x33F;
	s14 =	smul.u32 @!p1 s14, s15;
	s15 =	sadd.s32 $0x1000, s12  }
0x2a: {  	s18 =	smov.u32 @p2 s15  }
0x2b: {  	s16 =	simm.s32 @p2 $0x0;
	p2 =	sgt.s32 s18, $0x3FFF  }
0x2c: {  	s18 =	smov.u32 @p2 s2;
	p2 =	sne.s32 s13, s7  }
.Ltmp1:
0x2d: {  	p0 =	por !p0, !p0;
	s17 =	simm.s32 @!p1 $0x2;
	(pc) =	sbr.rel @!p2 .LBB1_6-.Ltmp1, $4  }
0x2e: {  	s15 =	smov.u32 s9;
	s9 =	smov.u32 s11;
	s14 =	sand.u32 @!p1 $0x3FFFFFFF, s14  }
0x2f: {  	s11 =	smov.u32 s16;
	_ =	swait.ge @!p1 [sflag:s17], s14;
	s19 =	ssub.s32 @!p1 $0x0, s14  }
0x30: {  	s14 =	smov.u32 s10;
	s13 =	sadd.s32 $0x1, s13;
	[sflag:s17] =	ssyncset.done @!p1 $0x0  }
0x31: {  	s10 =	smov.u32 s12;
	s12 =	smov.u32 s18;
	[sflag:s17] =	ssyncadd.s32 @!p1 s19  }
.LBB1_1:
0x32: {  	p1 =	sge.u32 s13, s5  }
0x33: {  	s16 =	sshrl.u32 @!p1 s12, $0x3  }
0x34: {  	s17 =	sshll.u32 @!p1 s11, $0x3;
	s16 =	smul.u32 @!p1 $0x1C00, s16  }
0x35: {  	s18 =	sshll.u32 @!p1 s12, $0x7;
	s17 =	sand.u32 @!p1 $0xFFFFFC00, s17  }
0x36: {  	s16 =	sadd.s32 @!p1 s16, s17;
	s17 =	sand.u32 @!p1 $0x380, s18  }
0x37: {  	s16 =	sor.u32 @!p1 s17, s16  }
0x38: {  	s17 =	sshrl.u32 @!p1 s16, $0x7  }
0x39: {  	s17 =	smulhi.u32 @!p1 $0x24924925, s17;
	_ =	sdelay $0x1  }
0x3a: {  	s18 =	sand.u32 @!p1 $0x7F, s11;
	s19 =	smul.u32 @!p1 $0x380, s17  }
0x3b: {  	s31 =	sadd.s32 $0xFFFFFFFF, s13;
	s16 =	sor.u32 @!p1 s18, s16;
	s18 =	sxor.u32 @!p1 $0xFFFFFFFF, s13  }
0x3c: {  	s18 =	sshll.u32 @!p1 s18, $0xE;
	s17 =	sand.u32 @!p1 $0x3FFF, s17;
	s16 =	ssub.s32 @!p1 s16, s19  }
0x3d: {  	s17 =	smul.u32 @!p1 $0x70, s17;
	s19 =	sshrl.u32 @!p1 s16, $0x3;
	s16 =	sand.u32 @!p1 $0x7, s16  }
0x3e: {  	s18 =	sand.u32 @!p1 $0x4000, s18;
	s19 =	sadd.s32 @!p1 s6, s19;
	s16 =	sshll.u32 @!p1 s16, $0x12  }
0x3f: {  	s17 =	sadd.s32 @!p1 s17, s19;
	s16 =	sor.u32 @!p1 $0x400, s16;
	s19 =	simm.s32 @!p1 $0x1C00  }
0x40: {  	[tilespmem:s18], [sflag:$0x1] =	stream.strided.gather @!p1 [hbm4b:s17+s16], $0x4000, s19, s16, $0x38;
	[tilespmem:$0x10100] =	vst v63  }
0x41: {  	p1 =	sge.u32 s31, s5  }
.Ltmp2:
0x42: {  	_ = 	snop;
	(pc) =	sbr.rel @p1 .LBB1_5-.Ltmp2, $1  }
0x43: {  	_ =	sdelay $0x3  }
0x44: {  	s16 =	simm.s32 $0x1  }
0x45: {  	_ =	swait.ge [sflag:s4], $0x4000;
	s16 =	simm.s32 @!p0 $0x0  }
0x46: {  	[sflag:s4] =	ssyncset.done $0x0;
	s17 =	sshll.u32 s16, $0xE  }
0x47: {  	[sflag:s4] =	ssyncadd.s32 $0xFFFFC000;
	s17 =	sor.u32 $0x40, s17  }
0x48: {  	s16 =	smul.u32 $0x10200, s16;
	v0 =	vld [tilespmem:s17+$0x30]  }
0x49: {  	v1 =	vld [tilespmem:s17+$0xFFFFFFD0]  }
0x4a: {  	s16 =	sshrl.u32 s16, $0x2;
	v5 =	vld [tilespmem:s17+$0xFFFFFFE0]  }
0x4b: {  	v6 =	vld [tilespmem:s17+$0xFFFFFFF0];
	s19 =	sor.u32 $0x8000, s16  }
0x4c: {  	s31 =	sand.u32 $0x1, s13;
	v4 =	vld [tilespmem:s17+$0x0];
	s18 =	sadd.s32 $0x0, s19  }
0x4d: {  	v3 =	vld [tilespmem:s17+$0x10];
	s16 =	smul.u32 $0x10200, s31;
	[tilespmem:s18+$0x3870 ss:$0x81] =	vst.msk $0xffff, v0  }
0x4e: {  	v2 =	vld [tilespmem:s17+$0x20];
	[tilespmem:s18+$0x810 ss:$0x81] =	vst.msk $0xffff, v1  }
0x4f: {  	s16 =	sshrl.u32 s16, $0x2;
	v1 =	vld [tilespmem:s17+$0xFFFFFFC0];
	[tilespmem:s18+$0x1020 ss:$0x81] =	vst.msk $0xffff, v5;
	s17 =	sadd.s32 $0x80, s17  }
0x50: {  	s20 =	simm.s32 $0x4;
	s21 =	simm.s32 $0x8;
	s16 =	sor.u32 $0x8000, s16;
	[tilespmem:s18+$0x1830 ss:$0x81] =	vst.msk $0xffff, v6;
	v0 =	vld [tilespmem:s17+$0x30]  }
.LBB1_3:
0x51: {  	p1 =	sne.s32 s21, $0x1FC;
	v5 =	vld [tilespmem:s17+$0xFFFFFFD0];
	[tilespmem:s18+$0x2040 ss:$0x81] =	vst.msk $0xffff, v4  }
0x52: {  	v6 =	vld [tilespmem:s17+$0xFFFFFFE0];
	[tilespmem:s18+$0x2850 ss:$0x81] =	vst.msk $0xffff, v3  }
0x53: {  	s22 =	sshra.s32 s20, $0x2;
	s20 =	smov.u32 s21;
	v7 =	vld [tilespmem:s17+$0xFFFFFFF0];
	[tilespmem:s18+$0x3060 ss:$0x81] =	vst.msk $0xffff, v2  }
.Ltmp3:
0x54: {  	v4 =	vld [tilespmem:s17+$0x0];
	[tilespmem:s18+$0x0 ss:$0x81] =	vst.msk $0xffff, v1;
	s18 =	sadd.s32 s22, s19;
	(pc) =	sbr.rel @p1 .LBB1_3-.Ltmp3, $4  }
0x55: {  	v3 =	vld [tilespmem:s17+$0x10];
	[tilespmem:s18+$0x3870 ss:$0x81] =	vst.msk $0xffff, v0  }
0x56: {  	[tilespmem:s18+$0x810 ss:$0x81] =	vst.msk $0xffff, v5;
	v2 =	vld [tilespmem:s17+$0x20]  }
0x57: {  	v1 =	vld [tilespmem:s17+$0xFFFFFFC0];
	[tilespmem:s18+$0x1020 ss:$0x81] =	vst.msk $0xffff, v6;
	s17 =	sadd.s32 $0x80, s17  }
0x58: {  	s21 =	sadd.s32 $0x4, s21;
	v0 =	vld [tilespmem:s17+$0x30];
	[tilespmem:s18+$0x1830 ss:$0x81] =	vst.msk $0xffff, v7  }
.Ltmp4:
0x59: {  	_ = 	snop;
	(pc) =	sbr.rel .LBB1_4-.Ltmp4, $1  }
0x5a: {  	_ =	sdelay $0x3  }
.LBB1_6:
0x5b: {  	_ =	sfence.sel $0x180000  }
0x5c: {  	s2 =	simm.s32 $0x1;
	[bflag:$0x0] =	sbarrier.arrive $0xFFFF  }
0x5d: {  	s31 =	simm.s32 $0x2;
	[sflag:s2] =	ssyncpa.u1 $0x1  }
0x5e: {  	[sflag:s31] =	ssyncpa.u1 $0x1  }
0x5f: {  	p0 =	sne.s32 s0, $0x0;
	_ =	strace $0x9000004A  }
0x60: {  	s0 =	sadd.s32 @!p0 $0x100000, s1;
	[bflag:$0x2] =	sbarrier.arrive $0xFFFF  }
0x61: {  	[sflag:s0] =	ssyncadd.tile.s32 @!p0 $0x1;
	_ =	shalt  }
.Lfunc_end1:
_tile_overlayer_lowered:
.L_overlay_start_2:
0x62: {  	(tag) =	ssettag $0x2  }
0x63: {  	s0 =	rddreg [dreg:$0x0];
	s2 =	stileid.u32  }
0x64: {  	s1 =	rddreg [dreg:$0x1];
	p0 =	sne.s32 s2, $0x0  }
0x65: {  	s3 =	rddreg [dreg:$0x2];
	[bflag:$0x3] =	sbarrier.arrive $0xFFFF;
	s2 =	simm.s32 @!p0 $0x1C01  }
0x66: {  	[timem:s3], [sflag:s2] =	dma.local @!p0 [hbm:s0], s1  }
0x67: {  	s0 =	simm.s32 @!p0 $0x1  }
0x68: {  	_ =	swait.ge @!p0 [sflag:s0], s1  }
0x69: {  	s1 =	ssub.s32 @!p0 $0x0, s1;
	[sflag:s0] =	ssyncset.done @!p0 $0x0  }
0x6a: {  	[sflag:s0] =	ssyncadd.s32 @!p0 s1  }
0x6b: {  	[bflag:$0x3] =	sbarrier.arrive $0xFFFF  }
0x6c: {  	_ =	shalt  }

</sc_bundles>
